<compile_context>
chip_gen: v7x
topology: tpu7x:2x2x1
jax: 0.10.2.dev20260603
libtpu: 0.0.44.dev20260713+nightly
codegen_flags: <defaults>
</compile_context>

<pallas_src>
import jax
import jax.numpy as jnp
from jax import lax
from jax.experimental import pallas as pl
from jax.experimental.pallas import tpu as pltpu
from jax.experimental.pallas import tpu_sc as plsc

N = 10000
D = 128
E = 320000
NP = 10240
NC = 2
NS = 16
NW = NC * NS
CH = 128
NCH = 80
HP = 40
EPAD = NW * NCH * CH
RPS = NP // NS

_MESH = plsc.VectorSubcoreMesh(core_axis_name="c", subcore_axis_name="s",
                               num_cores=NC, num_subcores=NS)


def _fill(ref, n, value):
    def body(i, _):
        ref[pl.ds(i * 16, 16)] = jnp.full((16,), value, jnp.float32)
        return 0
    lax.fori_loop(0, n // 16, body, 0)


def _deg_body(dst_hbm, out_hbm, acc, idxv, ones, buf, sd):
    c = lax.axis_index("c")
    s = lax.axis_index("s")
    wid = c * NS + s
    pltpu.async_copy(dst_hbm.at[wid], idxv, sd)
    _fill(ones, CH, 1.0)
    _fill(buf, RPS, 0.0)
    pltpu.sync_copy(buf, acc.at[pl.ds(s * RPS, RPS)])
    plsc.subcore_barrier()
    pltpu.make_async_copy(dst_hbm.at[wid], idxv, sd).wait()

    def body(j, _):
        pltpu.async_copy(ones, acc.at[idxv.at[j]], sd, add=True)
        return 0
    lax.fori_loop(0, NCH, body, 0)

    def drain(j, _):
        pltpu.make_async_copy(ones, acc.at[idxv.at[j]], sd).wait()
        return 0
    lax.fori_loop(0, NCH, drain, 0)
    plsc.subcore_barrier()
    pltpu.sync_copy(acc.at[pl.ds(s * RPS, RPS)], buf)
    pltpu.sync_copy(buf, out_hbm.at[c, pl.ds(s * RPS, RPS)])


_deg_call = pl.kernel(
    _deg_body,
    out_type=jax.ShapeDtypeStruct((NC, NP), jnp.float32),
    mesh=_MESH,
    scratch_types=[
        pltpu.VMEM_SHARED((NP,), jnp.float32),
        pltpu.VMEM((NCH, CH), jnp.int32),
        pltpu.VMEM((CH,), jnp.float32),
        pltpu.VMEM((RPS,), jnp.float32),
        pltpu.SemaphoreType.DMA,
    ],
)


def _gs_body(y_hbm, src_hbm, dst_hbm, out_hbm, acc, sidx, didx, ra, rb,
             sa, sb, ta, tb):
    c = lax.axis_index("c")
    s = lax.axis_index("s")
    wid = c * NS + s

    pltpu.async_copy(src_hbm.at[wid, pl.ds(0, HP)], sidx, ta)
    pltpu.async_copy(dst_hbm.at[wid, pl.ds(0, HP)], didx, tb)

    def zrow(i, _):
        ra[i // 8, pl.ds((i % 8) * 16, 16)] = jnp.zeros((16,), jnp.float32)
        return 0
    lax.fori_loop(0, CH * 8, zrow, 0)
    for t in range(RPS // CH):
        pltpu.async_copy(ra, acc.at[pl.ds(s * RPS + t * CH, CH)], sa)
    for t in range(RPS // CH):
        pltpu.make_async_copy(ra, acc.at[pl.ds(s * RPS + t * CH, CH)],
                              sa).wait()
    plsc.subcore_barrier()

    def gather(j, buf, sem):
        pltpu.async_copy(y_hbm.at[sidx.at[j, pl.ds(0, 64)]],
                         buf.at[pl.ds(0, 64)], sem)
        pltpu.async_copy(y_hbm.at[sidx.at[j, pl.ds(64, 64)]],
                         buf.at[pl.ds(64, 64)], sem)

    def gwait(j, buf, sem):
        pltpu.make_async_copy(y_hbm.at[sidx.at[j]], buf, sem).wait()

    for p in range(NCH // HP):
        if p == 0:
            pltpu.make_async_copy(src_hbm.at[wid, pl.ds(0, HP)], sidx,
                                  ta).wait()
            pltpu.make_async_copy(dst_hbm.at[wid, pl.ds(0, HP)], didx,
                                  tb).wait()
        else:
            pltpu.sync_copy(src_hbm.at[wid, pl.ds(p * HP, HP)], sidx)
            pltpu.sync_copy(dst_hbm.at[wid, pl.ds(p * HP, HP)], didx)
        gather(0, ra, sa)

        def body(i, _):
            j0 = 2 * i
            j1 = j0 + 1
            gwait(j0, ra, sa)
            gather(j1, rb, sb)
            pltpu.sync_copy(ra, acc.at[didx.at[j0]], add=True)

            @pl.when(j1 + 1 < HP)
            def _():
                gather(j1 + 1, ra, sa)
            gwait(j1, rb, sb)
            pltpu.sync_copy(rb, acc.at[didx.at[j1]], add=True)
            return 0
        lax.fori_loop(0, HP // 2, body, 0)
    plsc.subcore_barrier()
    bufs = [ra, rb]
    rsems = [sa, sb]
    wsems = [ta, tb]
    nt = RPS // CH
    pltpu.async_copy(acc.at[pl.ds(s * RPS, CH)], ra, sa)
    for t in range(nt):
        b = bufs[t % 2]
        nb = bufs[(t + 1) % 2]
        row = s * RPS + t * CH
        pltpu.make_async_copy(acc.at[pl.ds(row, CH)], b, rsems[t % 2]).wait()
        if t + 1 < nt:
            if t >= 1:
                pltpu.make_async_copy(
                    nb, out_hbm.at[c, pl.ds(row - CH, CH)],
                    wsems[(t + 1) % 2]).wait()
            pltpu.async_copy(acc.at[pl.ds(row + CH, CH)], nb,
                             rsems[(t + 1) % 2])
        pltpu.async_copy(b, out_hbm.at[c, pl.ds(row, CH)], wsems[t % 2])
    for t in (nt - 2, nt - 1):
        row = s * RPS + t * CH
        pltpu.make_async_copy(bufs[t % 2], out_hbm.at[c, pl.ds(row, CH)],
                              wsems[t % 2]).wait()


_gs_call = pl.kernel(
    _gs_body,
    out_type=jax.ShapeDtypeStruct((NC, NP, D), jnp.float32),
    mesh=_MESH,
    scratch_types=[
        pltpu.VMEM_SHARED((NP, D), jnp.float32),
        pltpu.VMEM((HP, CH), jnp.int32),
        pltpu.VMEM((HP, CH), jnp.int32),
        pltpu.VMEM((CH, D), jnp.float32),
        pltpu.VMEM((CH, D), jnp.float32),
        pltpu.SemaphoreType.DMA,
        pltpu.SemaphoreType.DMA,
        pltpu.SemaphoreType.DMA,
        pltpu.SemaphoreType.DMA,
    ],
)


def _mm_body(x_ref, w_ref, deg_ref, y_ref):
    dinv = lax.rsqrt(deg_ref[...] + 2.0)
    y_ref[...] = jnp.dot(x_ref[...], w_ref[...],
                         preferred_element_type=jnp.float32) * dinv


def _fin_body(p_ref, y_ref, deg_ref, b_ref, g_ref, be_ref, o_ref):
    dinv = lax.rsqrt(deg_ref[...] + 2.0)
    o = dinv * (p_ref[0] + p_ref[1] + 2.0 * y_ref[...]) + b_ref[...]
    mu = jnp.mean(o, axis=-1, keepdims=True)
    ctr = o - mu
    var = jnp.mean(ctr * ctr, axis=-1, keepdims=True)
    h = ctr * lax.rsqrt(var + 1e-5) * g_ref[...] + be_ref[...]
    o_ref[...] = jnp.maximum(h, 0.0)


_RB = 5000


def kernel(x, edge_index, W, b, gamma, beta):
    pad = EPAD - E
    pad_src = (jnp.arange(pad, dtype=jnp.int32) * 131) % N
    pad_dst = N + jnp.arange(pad, dtype=jnp.int32) % (NP - N)
    ep = jnp.concatenate([edge_index, jnp.stack([pad_src, pad_dst])], axis=1)
    srcp = ep[0].reshape(NW, NCH, CH)
    dstp = ep[1].reshape(NW, NCH, CH)

    degp = _deg_call(dstp)
    deg = (degp[0] + degp[1])[:N].reshape(N, 1)

    y = pl.pallas_call(
        _mm_body,
        grid=(N // _RB,),
        in_specs=[
            pl.BlockSpec((_RB, D), lambda i: (i, 0)),
            pl.BlockSpec((D, D), lambda i: (0, 0)),
            pl.BlockSpec((_RB, 1), lambda i: (i, 0)),
        ],
        out_specs=pl.BlockSpec((_RB, D), lambda i: (i, 0)),
        out_shape=jax.ShapeDtypeStruct((N, D), jnp.float32),
    )(x, W, deg)

    parts = _gs_call(y, srcp, dstp)

    h = pl.pallas_call(
        _fin_body,
        grid=(N // _RB,),
        in_specs=[
            pl.BlockSpec((NC, _RB, D), lambda i: (0, i, 0)),
            pl.BlockSpec((_RB, D), lambda i: (i, 0)),
            pl.BlockSpec((_RB, 1), lambda i: (i, 0)),
            pl.BlockSpec((1, D), lambda i: (0, 0)),
            pl.BlockSpec((1, D), lambda i: (0, 0)),
            pl.BlockSpec((1, D), lambda i: (0, 0)),
        ],
        out_specs=pl.BlockSpec((_RB, D), lambda i: (i, 0)),
        out_shape=jax.ShapeDtypeStruct((N, D), jnp.float32),
    )(parts, y, deg, b.reshape(1, D), gamma.reshape(1, D), beta.reshape(1, D))
    return h

# --- scband reference (transcript-rebuilt; emitter-appended) ---
"""Pipeline reference for scband-crd-15109694947957 (READ-ONLY COPY).

The authoritative reference and input builder live on the scoring server;
editing this copy changes nothing except your own understanding.
"""

import jax, jax.numpy as jnp
import numpy as np

N = 10000
E = 320000
D_IN = 128
D_OUT = 128

def setup_inputs(seed: int = 0):
    key = jax.random.key(seed)
    ks = jax.random.split(key, 6)
    x = jax.random.normal(ks[0], (N, D_IN), dtype=jnp.float32)
    edge_index = jax.random.randint(ks[1], (2, E), 0, N, dtype=jnp.int32)
    W = jax.random.normal(ks[2], (D_IN, D_OUT), dtype=jnp.float32) / np.sqrt(D_IN)
    b = jnp.zeros((D_OUT,), dtype=jnp.float32)
    gamma = jnp.ones((D_OUT,), dtype=jnp.float32)
    beta = jnp.zeros((D_OUT,), dtype=jnp.float32)
    return {"x": x, "edge_index": edge_index, "W": W, "b": b, "gamma": gamma, "beta": beta}

def reference(x, edge_index, W, b, gamma, beta):
    # GCNConv with improved=True (self-loop weight 2.0), symmetric normalization
    xw = x @ W
    src = edge_index[0]
    dst = edge_index[1]
    loop = jnp.arange(N, dtype=edge_index.dtype)
    src_all = jnp.concatenate([src, loop])
    dst_all = jnp.concatenate([dst, loop])
    ew = jnp.concatenate([jnp.ones((E,), jnp.float32), jnp.full((N,), 2.0, jnp.float32)])
    deg = jax.ops.segment_sum(ew, dst_all, num_segments=N)
    dinv = jnp.where(deg > 0, deg ** -0.5, 0.0)
    norm = dinv[src_all] * ew * dinv[dst_all]
    msgs = norm[:, None] * jnp.take(xw, src_all, axis=0)
    out = jax.ops.segment_sum(msgs, dst_all, num_segments=N) + b
    # LayerNorm over last dim
    mu = jnp.mean(out, axis=-1, keepdims=True)
    var = jnp.var(out, axis=-1, keepdims=True)
    h = (out - mu) / jnp.sqrt(var + 1e-5) * gamma + beta
    h = jax.nn.relu(h)
    # dropout is identity in eval mode (training=False)
    return h

if __name__ == "__main__":
    import jax
    _d = setup_inputs()
    print(jax.jit(kernel)(*tuple(_d.values())))

</pallas_src>

<mosaic_0001>
#map = affine_map<(d0, d1) -> (0, 0, 0)>
#map1 = affine_map<(d0, d1) -> (0, 0)>
module attributes {stable_mosaic.version = 14 : i64} {
  func.func @_deg_body(%arg0: i32, %arg1: i32, %arg2: memref<32x80x128xi32, #tpu.memory_space<hbm>>, %arg3: memref<2x10240xf32, #tpu.memory_space<hbm>>, %arg4: memref<10240xf32, #tpu.memory_space<vmem_shared>>, %arg5: memref<80x128xi32, #tpu.memory_space<vmem>>, %arg6: memref<128xf32, #tpu.memory_space<vmem>>, %arg7: memref<640xf32, #tpu.memory_space<vmem>>, %arg8: memref<!tpu.dma_semaphore, #tpu.memory_space<semaphore_mem>>) attributes {dimension_semantics = [#tpu.dimension_semantics<core_parallel>, #tpu.dimension_semantics<subcore_parallel>], iteration_bounds = array<i64: 2, 16>, scalar_prefetch = 0 : i64, scratch_operands = 5 : i64, tpu.core_type = #tpu.core_type<sc_vector_subcore>, window_params = [{transform_indices = #map}, {transform_indices = #map1}]} {
    %mul3A = arith.constant 16 : i32
    %mul3A_0 = arith.muli %arg0, %mul3A : i32
    %add3A = arith.addi %mul3A_0, %arg1 : i32
    %dma_start3A = arith.constant 0 : i32
    %dma_start3A_1 = arith.constant 0 : i32
    %dma_start3A_2 = tpu.memref_slice %arg2[%add3A, %dma_start3A, %dma_start3A_1] : memref<32x80x128xi32, #tpu.memory_space<hbm>> -> memref<1x80x128xi32, #tpu.memory_space<hbm>>
    %dma_start3A_3 = tpu.memref_squeeze %dma_start3A_2 : memref<1x80x128xi32, #tpu.memory_space<hbm>> -> memref<80x128xi32, #tpu.memory_space<hbm>>
    %dma_start3A_4 = arith.constant 0 : i32
    %dma_start3A_5 = arith.constant 0 : i32
    %dma_start3A_6 = tpu.memref_slice %arg2[%add3A, %dma_start3A_4, %dma_start3A_5] : memref<32x80x128xi32, #tpu.memory_space<hbm>> -> memref<1x80x128xi32, #tpu.memory_space<hbm>>
    %dma_start3A_7 = tpu.memref_squeeze %dma_start3A_6 : memref<1x80x128xi32, #tpu.memory_space<hbm>> -> memref<80x128xi32, #tpu.memory_space<hbm>>
    tpu.enqueue_dma source(%dma_start3A_7 : memref<80x128xi32, #tpu.memory_space<hbm>>) target(%arg5 : memref<80x128xi32, #tpu.memory_space<vmem>>) target_semaphore(%arg8 : memref<!tpu.dma_semaphore, #tpu.memory_space<semaphore_mem>>)
    %scan3A = arith.constant 0 : i32
    %scan3A_8 = arith.constant 0 : i32
    %scan3A_9 = arith.constant 8 : i32
    %scan3A_10 = arith.addi %scan3A_8, %scan3A_9 : i32
    %scan3A_11 = arith.constant 1 : i32
    %scan3A_12 = scf.for %scan3A_49 = %scan3A_8 to %scan3A_10 step %scan3A_11 iter_args(%scan3A_50 = %scan3A) -> (i32)  : i32 {
      %broadcast_in_dim3A = arith.constant 1.000000e+00 : f32
      %broadcast_in_dim3A_51 = vector.broadcast %broadcast_in_dim3A : f32 to vector<16xf32>
      %mul3A_52 = arith.constant 16 : i32
      %mul3A_53 = arith.muli %scan3A_49, %mul3A_52 : i32
      %swap3A = arith.index_cast %mul3A_53 : i32 to index
      %swap3A_54 = tpu.vector_load %arg6[%swap3A] {strides = array<i32>} : memref<128xf32, #tpu.memory_space<vmem>>, vector<16xf32>,
      %swap3A_55 = vector.shape_cast %swap3A_54 : vector<16xf32> to vector<16xf32>
      %swap3A_56 = vector.shape_cast %broadcast_in_dim3A_51 : vector<16xf32> to vector<16xf32>
      tpu.vector_store %arg6[%swap3A], %swap3A_56 {strides = array<i32>} : memref<128xf32, #tpu.memory_space<vmem>>, vector<16xf32>,
      %scan3A_57 = arith.constant 0 : i32
      scf.yield %scan3A_57 : i32
    }
    %scan3A_13 = arith.constant 8 : i32
    %scan3A_14 = arith.constant 0 : i32
    %scan3A_15 = arith.constant 0 : i32
    %scan3A_16 = arith.constant 40 : i32
    %scan3A_17 = arith.addi %scan3A_15, %scan3A_16 : i32
    %scan3A_18 = arith.constant 1 : i32
    %scan3A_19 = scf.for %scan3A_49 = %scan3A_15 to %scan3A_17 step %scan3A_18 iter_args(%scan3A_50 = %scan3A_14) -> (i32)  : i32 {
      %broadcast_in_dim3A = arith.constant 0.000000e+00 : f32
      %broadcast_in_dim3A_51 = vector.broadcast %broadcast_in_dim3A : f32 to vector<16xf32>
      %mul3A_52 = arith.constant 16 : i32
      %mul3A_53 = arith.muli %scan3A_49, %mul3A_52 : i32
      %swap3A = arith.index_cast %mul3A_53 : i32 to index
      %swap3A_54 = tpu.vector_load %arg7[%swap3A] {strides = array<i32>} : memref<640xf32, #tpu.memory_space<vmem>>, vector<16xf32>,
      %swap3A_55 = vector.shape_cast %swap3A_54 : vector<16xf32> to vector<16xf32>
      %swap3A_56 = vector.shape_cast %broadcast_in_dim3A_51 : vector<16xf32> to vector<16xf32>
      tpu.vector_store %arg7[%swap3A], %swap3A_56 {strides = array<i32>} : memref<640xf32, #tpu.memory_space<vmem>>, vector<16xf32>,
      %scan3A_57 = arith.constant 0 : i32
      scf.yield %scan3A_57 : i32
    }
    %scan3A_20 = arith.constant 40 : i32
    %mul3A_21 = arith.constant 640 : i32
    %mul3A_22 = arith.muli %arg1, %mul3A_21 : i32
    "tpu.region"() ({
      %run_scoped3A = tpu.sem_alloc : memref<!tpu.dma_semaphore, #tpu.memory_space<semaphore_mem>>
      %dma_start3A_49 = tpu.memref_slice %arg4[%mul3A_22] : memref<10240xf32, #tpu.memory_space<vmem_shared>> -> memref<640xf32, #tpu.memory_space<vmem_shared>>
      %dma_start3A_50 = tpu.memref_slice %arg4[%mul3A_22] : memref<10240xf32, #tpu.memory_space<vmem_shared>> -> memref<640xf32, #tpu.memory_space<vmem_shared>>
      tpu.enqueue_dma source(%arg7 : memref<640xf32, #tpu.memory_space<vmem>>) target(%dma_start3A_50 : memref<640xf32, #tpu.memory_space<vmem_shared>>) target_semaphore(%run_scoped3A : memref<!tpu.dma_semaphore, #tpu.memory_space<semaphore_mem>>)
      %dma_wait3A_51 = tpu.memref_slice %arg4[%mul3A_22] : memref<10240xf32, #tpu.memory_space<vmem_shared>> -> memref<640xf32, #tpu.memory_space<vmem_shared>>
      %dma_wait3A_52 = tpu.memref_slice %arg4[%mul3A_22] : memref<10240xf32, #tpu.memory_space<vmem_shared>> -> memref<640xf32, #tpu.memory_space<vmem_shared>>
      tpu.wait_dma2 semaphore(%run_scoped3A : memref<!tpu.dma_semaphore, #tpu.memory_space<semaphore_mem>>) src(%arg7 : memref<640xf32, #tpu.memory_space<vmem>>) dst(%dma_wait3A_52 : memref<640xf32, #tpu.memory_space<vmem_shared>>)
      tpu.yield
    }) : () -> ()
    %barrier3A = arith.constant 0 : index
    tpu.barrier barrier_id(%barrier3A)
    %dma_wait3A = arith.constant 0 : i32
    %dma_wait3A_23 = arith.constant 0 : i32
    %dma_wait3A_24 = tpu.memref_slice %arg2[%add3A, %dma_wait3A, %dma_wait3A_23] : memref<32x80x128xi32, #tpu.memory_space<hbm>> -> memref<1x80x128xi32, #tpu.memory_space<hbm>>
    %dma_wait3A_25 = tpu.memref_squeeze %dma_wait3A_24 : memref<1x80x128xi32, #tpu.memory_space<hbm>> -> memref<80x128xi32, #tpu.memory_space<hbm>>
    %dma_wait3A_26 = arith.constant 0 : i32
    %dma_wait3A_27 = arith.constant 0 : i32
    %dma_wait3A_28 = tpu.memref_slice %arg2[%add3A, %dma_wait3A_26, %dma_wait3A_27] : memref<32x80x128xi32, #tpu.memory_space<hbm>> -> memref<1x80x128xi32, #tpu.memory_space<hbm>>
    %dma_wait3A_29 = tpu.memref_squeeze %dma_wait3A_28 : memref<1x80x128xi32, #tpu.memory_space<hbm>> -> memref<80x128xi32, #tpu.memory_space<hbm>>
    tpu.wait_dma2 semaphore(%arg8 : memref<!tpu.dma_semaphore, #tpu.memory_space<semaphore_mem>>) src(%dma_wait3A_29 : memref<80x128xi32, #tpu.memory_space<hbm>>) dst(%arg5 : memref<80x128xi32, #tpu.memory_space<vmem>>)
    %scan3A_30 = arith.constant 0 : i32
    %scan3A_31 = arith.constant 0 : i32
    %scan3A_32 = arith.constant 80 : i32
    %scan3A_33 = arith.addi %scan3A_31, %scan3A_32 : i32
    %scan3A_34 = arith.constant 1 : i32
    %scan3A_35 = scf.for %scan3A_49 = %scan3A_31 to %scan3A_33 step %scan3A_34 iter_args(%scan3A_50 = %scan3A_30) -> (i32)  : i32 {
      %dma_start3A_51 = arith.constant 0 : i32
      %dma_start3A_52 = tpu.memref_slice %arg5[%scan3A_49, %dma_start3A_51] : memref<80x128xi32, #tpu.memory_space<vmem>> -> memref<1x128xi32, #tpu.memory_space<vmem>>
      %dma_start3A_53 = tpu.memref_squeeze %dma_start3A_52 : memref<1x128xi32, #tpu.memory_space<vmem>> -> memref<128xi32, #tpu.memory_space<vmem>>
      %dma_start3A_54 = arith.constant 0 : i32
      %dma_start3A_55 = tpu.memref_slice %arg4[%dma_start3A_54] : memref<10240xf32, #tpu.memory_space<vmem_shared>> -> memref<10240xf32, #tpu.memory_space<vmem_shared>>
      tpu.enqueue_indirect_dma source(%arg6 : memref<128xf32, #tpu.memory_space<vmem>>) target(%dma_start3A_55 : memref<10240xf32, #tpu.memory_space<vmem_shared>>) offsets(%dma_start3A_53 : memref<128xi32, #tpu.memory_space<vmem>>) semaphore(%arg8 : memref<!tpu.dma_semaphore, #tpu.memory_space<semaphore_mem>>) {add = true}
      %scan3A_56 = arith.constant 0 : i32
      scf.yield %scan3A_56 : i32
    }
    %scan3A_36 = arith.constant 80 : i32
    %scan3A_37 = arith.constant 0 : i32
    %scan3A_38 = arith.constant 0 : i32
    %scan3A_39 = arith.constant 80 : i32
    %scan3A_40 = arith.addi %scan3A_38, %scan3A_39 : i32
    %scan3A_41 = arith.constant 1 : i32
    %scan3A_42 = scf.for %scan3A_49 = %scan3A_38 to %scan3A_40 step %scan3A_41 iter_args(%scan3A_50 = %scan3A_37) -> (i32)  : i32 {
      %dma_wait3A_51 = arith.constant 0 : i32
      %dma_wait3A_52 = tpu.memref_slice %arg5[%scan3A_49, %dma_wait3A_51] : memref<80x128xi32, #tpu.memory_space<vmem>> -> memref<1x128xi32, #tpu.memory_space<vmem>>
      %dma_wait3A_53 = tpu.memref_squeeze %dma_wait3A_52 : memref<1x128xi32, #tpu.memory_space<vmem>> -> memref<128xi32, #tpu.memory_space<vmem>>
      %dma_wait3A_54 = arith.constant 0 : i32
      %dma_wait3A_55 = tpu.memref_slice %arg4[%dma_wait3A_54] : memref<10240xf32, #tpu.memory_space<vmem_shared>> -> memref<10240xf32, #tpu.memory_space<vmem_shared>>
      tpu.wait_indirect_dma semaphore(%arg8 : memref<!tpu.dma_semaphore, #tpu.memory_space<semaphore_mem>>) src(%arg6 : memref<128xf32, #tpu.memory_space<vmem>>) dst(%dma_wait3A_55 : memref<10240xf32, #tpu.memory_space<vmem_shared>>)
      %scan3A_56 = arith.constant 0 : i32
      scf.yield %scan3A_56 : i32
    }
    %scan3A_43 = arith.constant 80 : i32
    %barrier3A_44 = arith.constant 0 : index
    tpu.barrier barrier_id(%barrier3A_44)
    %mul3A_45 = arith.constant 640 : i32
    %mul3A_46 = arith.muli %arg1, %mul3A_45 : i32
    "tpu.region"() ({
      %run_scoped3A = tpu.sem_alloc : memref<!tpu.dma_semaphore, #tpu.memory_space<semaphore_mem>>
      %dma_start3A_49 = tpu.memref_slice %arg4[%mul3A_46] : memref<10240xf32, #tpu.memory_space<vmem_shared>> -> memref<640xf32, #tpu.memory_space<vmem_shared>>
      %dma_start3A_50 = tpu.memref_slice %arg4[%mul3A_46] : memref<10240xf32, #tpu.memory_space<vmem_shared>> -> memref<640xf32, #tpu.memory_space<vmem_shared>>
      tpu.enqueue_dma source(%dma_start3A_50 : memref<640xf32, #tpu.memory_space<vmem_shared>>) target(%arg7 : memref<640xf32, #tpu.memory_space<vmem>>) target_semaphore(%run_scoped3A : memref<!tpu.dma_semaphore, #tpu.memory_space<semaphore_mem>>)
      %dma_wait3A_51 = tpu.memref_slice %arg4[%mul3A_46] : memref<10240xf32, #tpu.memory_space<vmem_shared>> -> memref<640xf32, #tpu.memory_space<vmem_shared>>
      %dma_wait3A_52 = tpu.memref_slice %arg4[%mul3A_46] : memref<10240xf32, #tpu.memory_space<vmem_shared>> -> memref<640xf32, #tpu.memory_space<vmem_shared>>
      tpu.wait_dma2 semaphore(%run_scoped3A : memref<!tpu.dma_semaphore, #tpu.memory_space<semaphore_mem>>) src(%dma_wait3A_52 : memref<640xf32, #tpu.memory_space<vmem_shared>>) dst(%arg7 : memref<640xf32, #tpu.memory_space<vmem>>)
      tpu.yield
    }) : () -> ()
    %mul3A_47 = arith.constant 640 : i32
    %mul3A_48 = arith.muli %arg1, %mul3A_47 : i32
    "tpu.region"() ({
      %run_scoped3A = tpu.sem_alloc : memref<!tpu.dma_semaphore, #tpu.memory_space<semaphore_mem>>
      %dma_start3A_49 = tpu.memref_slice %arg3[%arg0, %mul3A_48] : memref<2x10240xf32, #tpu.memory_space<hbm>> -> memref<1x640xf32, #tpu.memory_space<hbm>>
      %dma_start3A_50 = tpu.memref_squeeze %dma_start3A_49 : memref<1x640xf32, #tpu.memory_space<hbm>> -> memref<640xf32, #tpu.memory_space<hbm>>
      %dma_start3A_51 = tpu.memref_slice %arg3[%arg0, %mul3A_48] : memref<2x10240xf32, #tpu.memory_space<hbm>> -> memref<1x640xf32, #tpu.memory_space<hbm>>
      %dma_start3A_52 = tpu.memref_squeeze %dma_start3A_51 : memref<1x640xf32, #tpu.memory_space<hbm>> -> memref<640xf32, #tpu.memory_space<hbm>>
      tpu.enqueue_dma source(%arg7 : memref<640xf32, #tpu.memory_space<vmem>>) target(%dma_start3A_52 : memref<640xf32, #tpu.memory_space<hbm>>) target_semaphore(%run_scoped3A : memref<!tpu.dma_semaphore, #tpu.memory_space<semaphore_mem>>)
      %dma_wait3A_53 = tpu.memref_slice %arg3[%arg0, %mul3A_48] : memref<2x10240xf32, #tpu.memory_space<hbm>> -> memref<1x640xf32, #tpu.memory_space<hbm>>
      %dma_wait3A_54 = tpu.memref_squeeze %dma_wait3A_53 : memref<1x640xf32, #tpu.memory_space<hbm>> -> memref<640xf32, #tpu.memory_space<hbm>>
      %dma_wait3A_55 = tpu.memref_slice %arg3[%arg0, %mul3A_48] : memref<2x10240xf32, #tpu.memory_space<hbm>> -> memref<1x640xf32, #tpu.memory_space<hbm>>
      %dma_wait3A_56 = tpu.memref_squeeze %dma_wait3A_55 : memref<1x640xf32, #tpu.memory_space<hbm>> -> memref<640xf32, #tpu.memory_space<hbm>>
      tpu.wait_dma2 semaphore(%run_scoped3A : memref<!tpu.dma_semaphore, #tpu.memory_space<semaphore_mem>>) src(%arg7 : memref<640xf32, #tpu.memory_space<vmem>>) dst(%dma_wait3A_56 : memref<640xf32, #tpu.memory_space<hbm>>)
      tpu.yield
    }) : () -> ()
    return
  }
}

#map = affine_map<(d0, d1) -> (0, 0)>
#map1 = affine_map<(d0, d1) -> (0, 0, 0)>
module attributes {stable_mosaic.version = 14 : i64} {
  func.func @_gs_body(%arg0: i32, %arg1: i32, %arg2: memref<10000x128xf32, #tpu.memory_space<hbm>>, %arg3: memref<32x80x128xi32, #tpu.memory_space<hbm>>, %arg4: memref<32x80x128xi32, #tpu.memory_space<hbm>>, %arg5: memref<2x10240x128xf32, #tpu.memory_space<hbm>>, %arg6: memref<10240x128xf32, #tpu.memory_space<vmem_shared>>, %arg7: memref<40x128xi32, #tpu.memory_space<vmem>>, %arg8: memref<40x128xi32, #tpu.memory_space<vmem>>, %arg9: memref<128x128xf32, #tpu.memory_space<vmem>>, %arg10: memref<128x128xf32, #tpu.memory_space<vmem>>, %arg11: memref<!tpu.dma_semaphore, #tpu.memory_space<semaphore_mem>>, %arg12: memref<!tpu.dma_semaphore, #tpu.memory_space<semaphore_mem>>, %arg13: memref<!tpu.dma_semaphore, #tpu.memory_space<semaphore_mem>>, %arg14: memref<!tpu.dma_semaphore, #tpu.memory_space<semaphore_mem>>) attributes {dimension_semantics = [#tpu.dimension_semantics<core_parallel>, #tpu.dimension_semantics<subcore_parallel>], iteration_bounds = array<i64: 2, 16>, scalar_prefetch = 0 : i64, scratch_operands = 9 : i64, tpu.core_type = #tpu.core_type<sc_vector_subcore>, window_params = [{transform_indices = #map}, {transform_indices = #map1}, {transform_indices = #map1}, {transform_indices = #map1}]} {
    %mul3A = arith.constant 16 : i32
    %mul3A_0 = arith.muli %arg0, %mul3A : i32
    %add3A = arith.addi %mul3A_0, %arg1 : i32
    %dma_start3A = arith.constant 0 : i32
    %dma_start3A_1 = arith.constant 0 : i32
    %dma_start3A_2 = tpu.memref_slice %arg3[%add3A, %dma_start3A, %dma_start3A_1] : memref<32x80x128xi32, #tpu.memory_space<hbm>> -> memref<1x40x128xi32, #tpu.memory_space<hbm>>
    %dma_start3A_3 = tpu.memref_squeeze %dma_start3A_2 : memref<1x40x128xi32, #tpu.memory_space<hbm>> -> memref<40x128xi32, #tpu.memory_space<hbm>>
    %dma_start3A_4 = arith.constant 0 : i32
    %dma_start3A_5 = arith.constant 0 : i32
    %dma_start3A_6 = tpu.memref_slice %arg3[%add3A, %dma_start3A_4, %dma_start3A_5] : memref<32x80x128xi32, #tpu.memory_space<hbm>> -> memref<1x40x128xi32, #tpu.memory_space<hbm>>
    %dma_start3A_7 = tpu.memref_squeeze %dma_start3A_6 : memref<1x40x128xi32, #tpu.memory_space<hbm>> -> memref<40x128xi32, #tpu.memory_space<hbm>>
    tpu.enqueue_dma source(%dma_start3A_7 : memref<40x128xi32, #tpu.memory_space<hbm>>) target(%arg7 : memref<40x128xi32, #tpu.memory_space<vmem>>) target_semaphore(%arg13 : memref<!tpu.dma_semaphore, #tpu.memory_space<semaphore_mem>>)
    %dma_start3A_8 = arith.constant 0 : i32
    %dma_start3A_9 = arith.constant 0 : i32
    %dma_start3A_10 = tpu.memref_slice %arg4[%add3A, %dma_start3A_8, %dma_start3A_9] : memref<32x80x128xi32, #tpu.memory_space<hbm>> -> memref<1x40x128xi32, #tpu.memory_space<hbm>>
    %dma_start3A_11 = tpu.memref_squeeze %dma_start3A_10 : memref<1x40x128xi32, #tpu.memory_space<hbm>> -> memref<40x128xi32, #tpu.memory_space<hbm>>
    %dma_start3A_12 = arith.constant 0 : i32
    %dma_start3A_13 = arith.constant 0 : i32
    %dma_start3A_14 = tpu.memref_slice %arg4[%add3A, %dma_start3A_12, %dma_start3A_13] : memref<32x80x128xi32, #tpu.memory_space<hbm>> -> memref<1x40x128xi32, #tpu.memory_space<hbm>>
    %dma_start3A_15 = tpu.memref_squeeze %dma_start3A_14 : memref<1x40x128xi32, #tpu.memory_space<hbm>> -> memref<40x128xi32, #tpu.memory_space<hbm>>
    tpu.enqueue_dma source(%dma_start3A_15 : memref<40x128xi32, #tpu.memory_space<hbm>>) target(%arg8 : memref<40x128xi32, #tpu.memory_space<vmem>>) target_semaphore(%arg14 : memref<!tpu.dma_semaphore, #tpu.memory_space<semaphore_mem>>)
    %scan3A = arith.constant 0 : i32
    %scan3A_16 = arith.constant 0 : i32
    %scan3A_17 = arith.constant 1024 : i32
    %scan3A_18 = arith.addi %scan3A_16, %scan3A_17 : i32
    %scan3A_19 = arith.constant 1 : i32
    %scan3A_20 = scf.for %scan3A_315 = %scan3A_16 to %scan3A_18 step %scan3A_19 iter_args(%scan3A_316 = %scan3A) -> (i32)  : i32 {
      %broadcast_in_dim3A = arith.constant 0.000000e+00 : f32
      %broadcast_in_dim3A_317 = vector.broadcast %broadcast_in_dim3A : f32 to vector<16xf32>
      %jit3A = arith.constant 8 : i32
      %div3A = arith.divsi %scan3A_315, %jit3A : i32
      %sign3A = arith.constant 0 : i32
      %sign3A_318 = arith.cmpi sgt, %scan3A_315, %sign3A : i32
      %sign3A_319 = arith.extui %sign3A_318 : i1 to i32
      %sign3A_320 = arith.constant 0 : i32
      %sign3A_321 = arith.cmpi slt, %scan3A_315, %sign3A_320 : i32
      %sign3A_322 = arith.extui %sign3A_321 : i1 to i32
      %sign3A_323 = arith.subi %sign3A_319, %sign3A_322 : i32
      %sign3A_324 = arith.constant 0 : i32
      %sign3A_325 = arith.cmpi sgt, %jit3A, %sign3A_324 : i32
      %sign3A_326 = arith.extui %sign3A_325 : i1 to i32
      %sign3A_327 = arith.constant 0 : i32
      %sign3A_328 = arith.cmpi slt, %jit3A, %sign3A_327 : i32
      %sign3A_329 = arith.extui %sign3A_328 : i1 to i32
      %sign3A_330 = arith.subi %sign3A_326, %sign3A_329 : i32
      %ne3A = arith.cmpi ne, %sign3A_323, %sign3A_330 : i32
      %rem3A = arith.remsi %scan3A_315, %jit3A : i32
      %ne3A_331 = arith.constant 0 : i32
      %ne3A_332 = arith.cmpi ne, %rem3A, %ne3A_331 : i32
      %and3A = arith.andi %ne3A, %ne3A_332 : i1
      %sub3A_333 = arith.constant 1 : i32
      %sub3A_334 = arith.subi %div3A, %sub3A_333 : i32
      %select_n3A = arith.select %and3A, %sub3A_334, %div3A : i32
      %jit3A_335 = arith.constant 8 : i32
      %eq3A = arith.constant 0 : i32
      %eq3A_336 = arith.cmpi eq, %jit3A_335, %eq3A : i32
      %jit3A_337 = arith.constant 1 : i32
      %select_n3A_338 = arith.select %eq3A_336, %jit3A_337, %jit3A_335 : i32
      %rem3A_339 = arith.remsi %scan3A_315, %select_n3A_338 : i32
      %ne3A_340 = arith.constant 0 : i32
      %ne3A_341 = arith.cmpi ne, %rem3A_339, %ne3A_340 : i32
      %lt3A = arith.constant 0 : i32
      %lt3A_342 = arith.cmpi slt, %rem3A_339, %lt3A : i32
      %lt3A_343 = arith.constant 0 : i32
      %lt3A_344 = arith.cmpi slt, %select_n3A_338, %lt3A_343 : i32
      %ne3A_345 = arith.xori %lt3A_342, %lt3A_344 : i1
      %and3A_346 = arith.andi %ne3A_345, %ne3A_341 : i1
      %add3A_347 = arith.addi %rem3A_339, %select_n3A_338 : i32
      %select_n3A_348 = arith.select %and3A_346, %add3A_347, %rem3A_339 : i32
      %mul3A_349 = arith.constant 16 : i32
      %mul3A_350 = arith.muli %select_n3A_348, %mul3A_349 : i32
      %swap3A = arith.index_cast %select_n3A : i32 to index
      %swap3A_351 = arith.index_cast %mul3A_350 : i32 to index
      %swap3A_352 = tpu.vector_load %arg9[%swap3A, %swap3A_351] {strides = array<i32>} : memref<128x128xf32, #tpu.memory_space<vmem>>, vector<1x16xf32>,
      %swap3A_353 = vector.shape_cast %swap3A_352 : vector<1x16xf32> to vector<16xf32>
      %swap3A_354 = vector.shape_cast %broadcast_in_dim3A_317 : vector<16xf32> to vector<1x16xf32>
      tpu.vector_store %arg9[%swap3A, %swap3A_351], %swap3A_354 {strides = array<i32>} : memref<128x128xf32, #tpu.memory_space<vmem>>, vector<1x16xf32>,
      %scan3A_355 = arith.constant 0 : i32
      scf.yield %scan3A_355 : i32
    }
    %scan3A_21 = arith.constant 1024 : i32
    %mul3A_22 = arith.constant 640 : i32
    %mul3A_23 = arith.muli %arg1, %mul3A_22 : i32
    %add3A_24 = arith.constant 0 : i32
    %add3A_25 = arith.addi %mul3A_23, %add3A_24 : i32
    %dma_start3A_26 = arith.constant 0 : i32
    %dma_start3A_27 = tpu.memref_slice %arg6[%add3A_25, %dma_start3A_26] : memref<10240x128xf32, #tpu.memory_space<vmem_shared>> -> memref<128x128xf32, #tpu.memory_space<vmem_shared>>
    %dma_start3A_28 = arith.constant 0 : i32
    %dma_start3A_29 = tpu.memref_slice %arg6[%add3A_25, %dma_start3A_28] : memref<10240x128xf32, #tpu.memory_space<vmem_shared>> -> memref<128x128xf32, #tpu.memory_space<vmem_shared>>
    tpu.enqueue_dma source(%arg9 : memref<128x128xf32, #tpu.memory_space<vmem>>) target(%dma_start3A_29 : memref<128x128xf32, #tpu.memory_space<vmem_shared>>) target_semaphore(%arg11 : memref<!tpu.dma_semaphore, #tpu.memory_space<semaphore_mem>>)
    %mul3A_30 = arith.constant 640 : i32
    %mul3A_31 = arith.muli %arg1, %mul3A_30 : i32
    %add3A_32 = arith.constant 128 : i32
    %add3A_33 = arith.addi %mul3A_31, %add3A_32 : i32
    %dma_start3A_34 = arith.constant 0 : i32
    %dma_start3A_35 = tpu.memref_slice %arg6[%add3A_33, %dma_start3A_34] : memref<10240x128xf32, #tpu.memory_space<vmem_shared>> -> memref<128x128xf32, #tpu.memory_space<vmem_shared>>
    %dma_start3A_36 = arith.constant 0 : i32
    %dma_start3A_37 = tpu.memref_slice %arg6[%add3A_33, %dma_start3A_36] : memref<10240x128xf32, #tpu.memory_space<vmem_shared>> -> memref<128x128xf32, #tpu.memory_space<vmem_shared>>
    tpu.enqueue_dma source(%arg9 : memref<128x128xf32, #tpu.memory_space<vmem>>) target(%dma_start3A_37 : memref<128x128xf32, #tpu.memory_space<vmem_shared>>) target_semaphore(%arg11 : memref<!tpu.dma_semaphore, #tpu.memory_space<semaphore_mem>>)
    %mul3A_38 = arith.constant 640 : i32
    %mul3A_39 = arith.muli %arg1, %mul3A_38 : i32
    %add3A_40 = arith.constant 256 : i32
    %add3A_41 = arith.addi %mul3A_39, %add3A_40 : i32
    %dma_start3A_42 = arith.constant 0 : i32
    %dma_start3A_43 = tpu.memref_slice %arg6[%add3A_41, %dma_start3A_42] : memref<10240x128xf32, #tpu.memory_space<vmem_shared>> -> memref<128x128xf32, #tpu.memory_space<vmem_shared>>
    %dma_start3A_44 = arith.constant 0 : i32
    %dma_start3A_45 = tpu.memref_slice %arg6[%add3A_41, %dma_start3A_44] : memref<10240x128xf32, #tpu.memory_space<vmem_shared>> -> memref<128x128xf32, #tpu.memory_space<vmem_shared>>
    tpu.enqueue_dma source(%arg9 : memref<128x128xf32, #tpu.memory_space<vmem>>) target(%dma_start3A_45 : memref<128x128xf32, #tpu.memory_space<vmem_shared>>) target_semaphore(%arg11 : memref<!tpu.dma_semaphore, #tpu.memory_space<semaphore_mem>>)
    %mul3A_46 = arith.constant 640 : i32
    %mul3A_47 = arith.muli %arg1, %mul3A_46 : i32
    %add3A_48 = arith.constant 384 : i32
    %add3A_49 = arith.addi %mul3A_47, %add3A_48 : i32
    %dma_start3A_50 = arith.constant 0 : i32
    %dma_start3A_51 = tpu.memref_slice %arg6[%add3A_49, %dma_start3A_50] : memref<10240x128xf32, #tpu.memory_space<vmem_shared>> -> memref<128x128xf32, #tpu.memory_space<vmem_shared>>
    %dma_start3A_52 = arith.constant 0 : i32
    %dma_start3A_53 = tpu.memref_slice %arg6[%add3A_49, %dma_start3A_52] : memref<10240x128xf32, #tpu.memory_space<vmem_shared>> -> memref<128x128xf32, #tpu.memory_space<vmem_shared>>
    tpu.enqueue_dma source(%arg9 : memref<128x128xf32, #tpu.memory_space<vmem>>) target(%dma_start3A_53 : memref<128x128xf32, #tpu.memory_space<vmem_shared>>) target_semaphore(%arg11 : memref<!tpu.dma_semaphore, #tpu.memory_space<semaphore_mem>>)
    %mul3A_54 = arith.constant 640 : i32
    %mul3A_55 = arith.muli %arg1, %mul3A_54 : i32
    %add3A_56 = arith.constant 512 : i32
    %add3A_57 = arith.addi %mul3A_55, %add3A_56 : i32
    %dma_start3A_58 = arith.constant 0 : i32
    %dma_start3A_59 = tpu.memref_slice %arg6[%add3A_57, %dma_start3A_58] : memref<10240x128xf32, #tpu.memory_space<vmem_shared>> -> memref<128x128xf32, #tpu.memory_space<vmem_shared>>
    %dma_start3A_60 = arith.constant 0 : i32
    %dma_start3A_61 = tpu.memref_slice %arg6[%add3A_57, %dma_start3A_60] : memref<10240x128xf32, #tpu.memory_space<vmem_shared>> -> memref<128x128xf32, #tpu.memory_space<vmem_shared>>
    tpu.enqueue_dma source(%arg9 : memref<128x128xf32, #tpu.memory_space<vmem>>) target(%dma_start3A_61 : memref<128x128xf32, #tpu.memory_space<vmem_shared>>) target_semaphore(%arg11 : memref<!tpu.dma_semaphore, #tpu.memory_space<semaphore_mem>>)
    %mul3A_62 = arith.constant 640 : i32
    %mul3A_63 = arith.muli %arg1, %mul3A_62 : i32
    %add3A_64 = arith.constant 0 : i32
    %add3A_65 = arith.addi %mul3A_63, %add3A_64 : i32
    %dma_wait3A = arith.constant 0 : i32
    %dma_wait3A_66 = tpu.memref_slice %arg6[%add3A_65, %dma_wait3A] : memref<10240x128xf32, #tpu.memory_space<vmem_shared>> -> memref<128x128xf32, #tpu.memory_space<vmem_shared>>
    %dma_wait3A_67 = arith.constant 0 : i32
    %dma_wait3A_68 = tpu.memref_slice %arg6[%add3A_65, %dma_wait3A_67] : memref<10240x128xf32, #tpu.memory_space<vmem_shared>> -> memref<128x128xf32, #tpu.memory_space<vmem_shared>>
    tpu.wait_dma2 semaphore(%arg11 : memref<!tpu.dma_semaphore, #tpu.memory_space<semaphore_mem>>) src(%arg9 : memref<128x128xf32, #tpu.memory_space<vmem>>) dst(%dma_wait3A_68 : memref<128x128xf32, #tpu.memory_space<vmem_shared>>)
    %mul3A_69 = arith.constant 640 : i32
    %mul3A_70 = arith.muli %arg1, %mul3A_69 : i32
    %add3A_71 = arith.constant 128 : i32
    %add3A_72 = arith.addi %mul3A_70, %add3A_71 : i32
    %dma_wait3A_73 = arith.constant 0 : i32
    %dma_wait3A_74 = tpu.memref_slice %arg6[%add3A_72, %dma_wait3A_73] : memref<10240x128xf32, #tpu.memory_space<vmem_shared>> -> memref<128x128xf32, #tpu.memory_space<vmem_shared>>
    %dma_wait3A_75 = arith.constant 0 : i32
    %dma_wait3A_76 = tpu.memref_slice %arg6[%add3A_72, %dma_wait3A_75] : memref<10240x128xf32, #tpu.memory_space<vmem_shared>> -> memref<128x128xf32, #tpu.memory_space<vmem_shared>>
    tpu.wait_dma2 semaphore(%arg11 : memref<!tpu.dma_semaphore, #tpu.memory_space<semaphore_mem>>) src(%arg9 : memref<128x128xf32, #tpu.memory_space<vmem>>) dst(%dma_wait3A_76 : memref<128x128xf32, #tpu.memory_space<vmem_shared>>)
    %mul3A_77 = arith.constant 640 : i32
    %mul3A_78 = arith.muli %arg1, %mul3A_77 : i32
    %add3A_79 = arith.constant 256 : i32
    %add3A_80 = arith.addi %mul3A_78, %add3A_79 : i32
    %dma_wait3A_81 = arith.constant 0 : i32
    %dma_wait3A_82 = tpu.memref_slice %arg6[%add3A_80, %dma_wait3A_81] : memref<10240x128xf32, #tpu.memory_space<vmem_shared>> -> memref<128x128xf32, #tpu.memory_space<vmem_shared>>
    %dma_wait3A_83 = arith.constant 0 : i32
    %dma_wait3A_84 = tpu.memref_slice %arg6[%add3A_80, %dma_wait3A_83] : memref<10240x128xf32, #tpu.memory_space<vmem_shared>> -> memref<128x128xf32, #tpu.memory_space<vmem_shared>>
    tpu.wait_dma2 semaphore(%arg11 : memref<!tpu.dma_semaphore, #tpu.memory_space<semaphore_mem>>) src(%arg9 : memref<128x128xf32, #tpu.memory_space<vmem>>) dst(%dma_wait3A_84 : memref<128x128xf32, #tpu.memory_space<vmem_shared>>)
    %mul3A_85 = arith.constant 640 : i32
    %mul3A_86 = arith.muli %arg1, %mul3A_85 : i32
    %add3A_87 = arith.constant 384 : i32
    %add3A_88 = arith.addi %mul3A_86, %add3A_87 : i32
    %dma_wait3A_89 = arith.constant 0 : i32
    %dma_wait3A_90 = tpu.memref_slice %arg6[%add3A_88, %dma_wait3A_89] : memref<10240x128xf32, #tpu.memory_space<vmem_shared>> -> memref<128x128xf32, #tpu.memory_space<vmem_shared>>
    %dma_wait3A_91 = arith.constant 0 : i32
    %dma_wait3A_92 = tpu.memref_slice %arg6[%add3A_88, %dma_wait3A_91] : memref<10240x128xf32, #tpu.memory_space<vmem_shared>> -> memref<128x128xf32, #tpu.memory_space<vmem_shared>>
    tpu.wait_dma2 semaphore(%arg11 : memref<!tpu.dma_semaphore, #tpu.memory_space<semaphore_mem>>) src(%arg9 : memref<128x128xf32, #tpu.memory_space<vmem>>) dst(%dma_wait3A_92 : memref<128x128xf32, #tpu.memory_space<vmem_shared>>)
    %mul3A_93 = arith.constant 640 : i32
    %mul3A_94 = arith.muli %arg1, %mul3A_93 : i32
    %add3A_95 = arith.constant 512 : i32
    %add3A_96 = arith.addi %mul3A_94, %add3A_95 : i32
    %dma_wait3A_97 = arith.constant 0 : i32
    %dma_wait3A_98 = tpu.memref_slice %arg6[%add3A_96, %dma_wait3A_97] : memref<10240x128xf32, #tpu.memory_space<vmem_shared>> -> memref<128x128xf32, #tpu.memory_space<vmem_shared>>
    %dma_wait3A_99 = arith.constant 0 : i32
    %dma_wait3A_100 = tpu.memref_slice %arg6[%add3A_96, %dma_wait3A_99] : memref<10240x128xf32, #tpu.memory_space<vmem_shared>> -> memref<128x128xf32, #tpu.memory_space<vmem_shared>>
    tpu.wait_dma2 semaphore(%arg11 : memref<!tpu.dma_semaphore, #tpu.memory_space<semaphore_mem>>) src(%arg9 : memref<128x128xf32, #tpu.memory_space<vmem>>) dst(%dma_wait3A_100 : memref<128x128xf32, #tpu.memory_space<vmem_shared>>)
    %barrier3A = arith.constant 0 : index
    tpu.barrier barrier_id(%barrier3A)
    %dma_wait3A_101 = arith.constant 0 : i32
    %dma_wait3A_102 = arith.constant 0 : i32
    %dma_wait3A_103 = tpu.memref_slice %arg3[%add3A, %dma_wait3A_101, %dma_wait3A_102] : memref<32x80x128xi32, #tpu.memory_space<hbm>> -> memref<1x40x128xi32, #tpu.memory_space<hbm>>
    %dma_wait3A_104 = tpu.memref_squeeze %dma_wait3A_103 : memref<1x40x128xi32, #tpu.memory_space<hbm>> -> memref<40x128xi32, #tpu.memory_space<hbm>>
    %dma_wait3A_105 = arith.constant 0 : i32
    %dma_wait3A_106 = arith.constant 0 : i32
    %dma_wait3A_107 = tpu.memref_slice %arg3[%add3A, %dma_wait3A_105, %dma_wait3A_106] : memref<32x80x128xi32, #tpu.memory_space<hbm>> -> memref<1x40x128xi32, #tpu.memory_space<hbm>>
    %dma_wait3A_108 = tpu.memref_squeeze %dma_wait3A_107 : memref<1x40x128xi32, #tpu.memory_space<hbm>> -> memref<40x128xi32, #tpu.memory_space<hbm>>
    tpu.wait_dma2 semaphore(%arg13 : memref<!tpu.dma_semaphore, #tpu.memory_space<semaphore_mem>>) src(%dma_wait3A_108 : memref<40x128xi32, #tpu.memory_space<hbm>>) dst(%arg7 : memref<40x128xi32, #tpu.memory_space<vmem>>)
    %dma_wait3A_109 = arith.constant 0 : i32
    %dma_wait3A_110 = arith.constant 0 : i32
    %dma_wait3A_111 = tpu.memref_slice %arg4[%add3A, %dma_wait3A_109, %dma_wait3A_110] : memref<32x80x128xi32, #tpu.memory_space<hbm>> -> memref<1x40x128xi32, #tpu.memory_space<hbm>>
    %dma_wait3A_112 = tpu.memref_squeeze %dma_wait3A_111 : memref<1x40x128xi32, #tpu.memory_space<hbm>> -> memref<40x128xi32, #tpu.memory_space<hbm>>
    %dma_wait3A_113 = arith.constant 0 : i32
    %dma_wait3A_114 = arith.constant 0 : i32
    %dma_wait3A_115 = tpu.memref_slice %arg4[%add3A, %dma_wait3A_113, %dma_wait3A_114] : memref<32x80x128xi32, #tpu.memory_space<hbm>> -> memref<1x40x128xi32, #tpu.memory_space<hbm>>
    %dma_wait3A_116 = tpu.memref_squeeze %dma_wait3A_115 : memref<1x40x128xi32, #tpu.memory_space<hbm>> -> memref<40x128xi32, #tpu.memory_space<hbm>>
    tpu.wait_dma2 semaphore(%arg14 : memref<!tpu.dma_semaphore, #tpu.memory_space<semaphore_mem>>) src(%dma_wait3A_116 : memref<40x128xi32, #tpu.memory_space<hbm>>) dst(%arg8 : memref<40x128xi32, #tpu.memory_space<vmem>>)
    %dma_start3A_117 = arith.constant 0 : i32
    %dma_start3A_118 = arith.constant 0 : i32
    %dma_start3A_119 = arith.constant 0 : i32
    %dma_start3A_120 = tpu.memref_slice %arg9[%dma_start3A_118, %dma_start3A_119] : memref<128x128xf32, #tpu.memory_space<vmem>> -> memref<64x128xf32, #tpu.memory_space<vmem>>
    %dma_start3A_121 = arith.constant 0 : i32
    %dma_start3A_122 = tpu.memref_slice %arg7[%dma_start3A_117, %dma_start3A_121] : memref<40x128xi32, #tpu.memory_space<vmem>> -> memref<1x64xi32, #tpu.memory_space<vmem>>
    %dma_start3A_123 = tpu.memref_squeeze %dma_start3A_122 : memref<1x64xi32, #tpu.memory_space<vmem>> -> memref<64xi32, #tpu.memory_space<vmem>>
    %dma_start3A_124 = arith.constant 0 : i32
    %dma_start3A_125 = arith.constant 0 : i32
    %dma_start3A_126 = tpu.memref_slice %arg2[%dma_start3A_124, %dma_start3A_125] : memref<10000x128xf32, #tpu.memory_space<hbm>> -> memref<10000x128xf32, #tpu.memory_space<hbm>>
    tpu.enqueue_indirect_dma source(%dma_start3A_126 : memref<10000x128xf32, #tpu.memory_space<hbm>>) target(%dma_start3A_120 : memref<64x128xf32, #tpu.memory_space<vmem>>) offsets(%dma_start3A_123 : memref<64xi32, #tpu.memory_space<vmem>>) semaphore(%arg11 : memref<!tpu.dma_semaphore, #tpu.memory_space<semaphore_mem>>)
    %dma_start3A_127 = arith.constant 0 : i32
    %dma_start3A_128 = arith.constant 64 : i32
    %dma_start3A_129 = arith.constant 0 : i32
    %dma_start3A_130 = tpu.memref_slice %arg9[%dma_start3A_128, %dma_start3A_129] : memref<128x128xf32, #tpu.memory_space<vmem>> -> memref<64x128xf32, #tpu.memory_space<vmem>>
    %dma_start3A_131 = arith.constant 64 : i32
    %dma_start3A_132 = tpu.memref_slice %arg7[%dma_start3A_127, %dma_start3A_131] : memref<40x128xi32, #tpu.memory_space<vmem>> -> memref<1x64xi32, #tpu.memory_space<vmem>>
    %dma_start3A_133 = tpu.memref_squeeze %dma_start3A_132 : memref<1x64xi32, #tpu.memory_space<vmem>> -> memref<64xi32, #tpu.memory_space<vmem>>
    %dma_start3A_134 = arith.constant 0 : i32
    %dma_start3A_135 = arith.constant 0 : i32
    %dma_start3A_136 = tpu.memref_slice %arg2[%dma_start3A_134, %dma_start3A_135] : memref<10000x128xf32, #tpu.memory_space<hbm>> -> memref<10000x128xf32, #tpu.memory_space<hbm>>
    tpu.enqueue_indirect_dma source(%dma_start3A_136 : memref<10000x128xf32, #tpu.memory_space<hbm>>) target(%dma_start3A_130 : memref<64x128xf32, #tpu.memory_space<vmem>>) offsets(%dma_start3A_133 : memref<64xi32, #tpu.memory_space<vmem>>) semaphore(%arg11 : memref<!tpu.dma_semaphore, #tpu.memory_space<semaphore_mem>>)
    %scan3A_137 = arith.constant 0 : i32
    %scan3A_138 = arith.constant 0 : i32
    %scan3A_139 = arith.constant 20 : i32
    %scan3A_140 = arith.addi %scan3A_138, %scan3A_139 : i32
    %scan3A_141 = arith.constant 1 : i32
    %scan3A_142 = scf.for %scan3A_315 = %scan3A_138 to %scan3A_140 step %scan3A_141 iter_args(%scan3A_316 = %scan3A_137) -> (i32)  : i32 {
      %mul3A_317 = arith.constant 2 : i32
      %mul3A_318 = arith.muli %mul3A_317, %scan3A_315 : i32
      %add3A_319 = arith.constant 1 : i32
      %add3A_320 = arith.addi %mul3A_318, %add3A_319 : i32
      %dma_wait3A_321 = arith.constant 0 : i32
      %dma_wait3A_322 = tpu.memref_slice %arg7[%mul3A_318, %dma_wait3A_321] : memref<40x128xi32, #tpu.memory_space<vmem>> -> memref<1x128xi32, #tpu.memory_space<vmem>>
      %dma_wait3A_323 = tpu.memref_squeeze %dma_wait3A_322 : memref<1x128xi32, #tpu.memory_space<vmem>> -> memref<128xi32, #tpu.memory_space<vmem>>
      %dma_wait3A_324 = arith.constant 0 : i32
      %dma_wait3A_325 = arith.constant 0 : i32
      %dma_wait3A_326 = tpu.memref_slice %arg2[%dma_wait3A_324, %dma_wait3A_325] : memref<10000x128xf32, #tpu.memory_space<hbm>> -> memref<10000x128xf32, #tpu.memory_space<hbm>>
      tpu.wait_indirect_dma semaphore(%arg11 : memref<!tpu.dma_semaphore, #tpu.memory_space<semaphore_mem>>) src(%dma_wait3A_326 : memref<10000x128xf32, #tpu.memory_space<hbm>>) dst(%arg9 : memref<128x128xf32, #tpu.memory_space<vmem>>)
      %dma_start3A_327 = arith.constant 0 : i32
      %dma_start3A_328 = arith.constant 0 : i32
      %dma_start3A_329 = tpu.memref_slice %arg10[%dma_start3A_327, %dma_start3A_328] : memref<128x128xf32, #tpu.memory_space<vmem>> -> memref<64x128xf32, #tpu.memory_space<vmem>>
      %dma_start3A_330 = arith.constant 0 : i32
      %dma_start3A_331 = tpu.memref_slice %arg7[%add3A_320, %dma_start3A_330] : memref<40x128xi32, #tpu.memory_space<vmem>> -> memref<1x64xi32, #tpu.memory_space<vmem>>
      %dma_start3A_332 = tpu.memref_squeeze %dma_start3A_331 : memref<1x64xi32, #tpu.memory_space<vmem>> -> memref<64xi32, #tpu.memory_space<vmem>>
      %dma_start3A_333 = arith.constant 0 : i32
      %dma_start3A_334 = arith.constant 0 : i32
      %dma_start3A_335 = tpu.memref_slice %arg2[%dma_start3A_333, %dma_start3A_334] : memref<10000x128xf32, #tpu.memory_space<hbm>> -> memref<10000x128xf32, #tpu.memory_space<hbm>>
      tpu.enqueue_indirect_dma source(%dma_start3A_335 : memref<10000x128xf32, #tpu.memory_space<hbm>>) target(%dma_start3A_329 : memref<64x128xf32, #tpu.memory_space<vmem>>) offsets(%dma_start3A_332 : memref<64xi32, #tpu.memory_space<vmem>>) semaphore(%arg12 : memref<!tpu.dma_semaphore, #tpu.memory_space<semaphore_mem>>)
      %dma_start3A_336 = arith.constant 64 : i32
      %dma_start3A_337 = arith.constant 0 : i32
      %dma_start3A_338 = tpu.memref_slice %arg10[%dma_start3A_336, %dma_start3A_337] : memref<128x128xf32, #tpu.memory_space<vmem>> -> memref<64x128xf32, #tpu.memory_space<vmem>>
      %dma_start3A_339 = arith.constant 64 : i32
      %dma_start3A_340 = tpu.memref_slice %arg7[%add3A_320, %dma_start3A_339] : memref<40x128xi32, #tpu.memory_space<vmem>> -> memref<1x64xi32, #tpu.memory_space<vmem>>
      %dma_start3A_341 = tpu.memref_squeeze %dma_start3A_340 : memref<1x64xi32, #tpu.memory_space<vmem>> -> memref<64xi32, #tpu.memory_space<vmem>>
      %dma_start3A_342 = arith.constant 0 : i32
      %dma_start3A_343 = arith.constant 0 : i32
      %dma_start3A_344 = tpu.memref_slice %arg2[%dma_start3A_342, %dma_start3A_343] : memref<10000x128xf32, #tpu.memory_space<hbm>> -> memref<10000x128xf32, #tpu.memory_space<hbm>>
      tpu.enqueue_indirect_dma source(%dma_start3A_344 : memref<10000x128xf32, #tpu.memory_space<hbm>>) target(%dma_start3A_338 : memref<64x128xf32, #tpu.memory_space<vmem>>) offsets(%dma_start3A_341 : memref<64xi32, #tpu.memory_space<vmem>>) semaphore(%arg12 : memref<!tpu.dma_semaphore, #tpu.memory_space<semaphore_mem>>)
      "tpu.region"() ({
        %run_scoped3A = tpu.sem_alloc : memref<!tpu.dma_semaphore, #tpu.memory_space<semaphore_mem>>
        %dma_start3A_356 = arith.constant 0 : i32
        %dma_start3A_357 = tpu.memref_slice %arg8[%mul3A_318, %dma_start3A_356] : memref<40x128xi32, #tpu.memory_space<vmem>> -> memref<1x128xi32, #tpu.memory_space<vmem>>
        %dma_start3A_358 = tpu.memref_squeeze %dma_start3A_357 : memref<1x128xi32, #tpu.memory_space<vmem>> -> memref<128xi32, #tpu.memory_space<vmem>>
        %dma_start3A_359 = arith.constant 0 : i32
        %dma_start3A_360 = arith.constant 0 : i32
        %dma_start3A_361 = tpu.memref_slice %arg6[%dma_start3A_359, %dma_start3A_360] : memref<10240x128xf32, #tpu.memory_space<vmem_shared>> -> memref<10240x128xf32, #tpu.memory_space<vmem_shared>>
        tpu.enqueue_indirect_dma source(%arg9 : memref<128x128xf32, #tpu.memory_space<vmem>>) target(%dma_start3A_361 : memref<10240x128xf32, #tpu.memory_space<vmem_shared>>) offsets(%dma_start3A_358 : memref<128xi32, #tpu.memory_space<vmem>>) semaphore(%run_scoped3A : memref<!tpu.dma_semaphore, #tpu.memory_space<semaphore_mem>>) {add = true}
        %dma_wait3A_362 = arith.constant 0 : i32
        %dma_wait3A_363 = tpu.memref_slice %arg8[%mul3A_318, %dma_wait3A_362] : memref<40x128xi32, #tpu.memory_space<vmem>> -> memref<1x128xi32, #tpu.memory_space<vmem>>
        %dma_wait3A_364 = tpu.memref_squeeze %dma_wait3A_363 : memref<1x128xi32, #tpu.memory_space<vmem>> -> memref<128xi32, #tpu.memory_space<vmem>>
        %dma_wait3A_365 = arith.constant 0 : i32
        %dma_wait3A_366 = arith.constant 0 : i32
        %dma_wait3A_367 = tpu.memref_slice %arg6[%dma_wait3A_365, %dma_wait3A_366] : memref<10240x128xf32, #tpu.memory_space<vmem_shared>> -> memref<10240x128xf32, #tpu.memory_space<vmem_shared>>
        tpu.wait_indirect_dma semaphore(%run_scoped3A : memref<!tpu.dma_semaphore, #tpu.memory_space<semaphore_mem>>) src(%arg9 : memref<128x128xf32, #tpu.memory_space<vmem>>) dst(%dma_wait3A_367 : memref<10240x128xf32, #tpu.memory_space<vmem_shared>>)
        tpu.yield
      }) : () -> ()
      %add3A_345 = arith.constant 1 : i32
      %add3A_346 = arith.addi %add3A_320, %add3A_345 : i32
      %lt3A = arith.constant 40 : i32
      %lt3A_347 = arith.cmpi slt, %add3A_346, %lt3A : i32
      %convert_element_type3A = arith.extui %lt3A_347 : i1 to i32
      %cond3A = arith.constant 0 : i32
      %cond3A_348 = arith.cmpi ne, %convert_element_type3A, %cond3A : i32
      scf.if %cond3A_348 {
        %add3A_356 = arith.constant 1 : i32
        %add3A_357 = arith.addi %add3A_320, %add3A_356 : i32
        %dma_start3A_358 = arith.constant 0 : i32
        %dma_start3A_359 = arith.constant 0 : i32
        %dma_start3A_360 = tpu.memref_slice %arg9[%dma_start3A_358, %dma_start3A_359] : memref<128x128xf32, #tpu.memory_space<vmem>> -> memref<64x128xf32, #tpu.memory_space<vmem>>
        %dma_start3A_361 = arith.constant 0 : i32
        %dma_start3A_362 = tpu.memref_slice %arg7[%add3A_357, %dma_start3A_361] : memref<40x128xi32, #tpu.memory_space<vmem>> -> memref<1x64xi32, #tpu.memory_space<vmem>>
        %dma_start3A_363 = tpu.memref_squeeze %dma_start3A_362 : memref<1x64xi32, #tpu.memory_space<vmem>> -> memref<64xi32, #tpu.memory_space<vmem>>
        %dma_start3A_364 = arith.constant 0 : i32
        %dma_start3A_365 = arith.constant 0 : i32
        %dma_start3A_366 = tpu.memref_slice %arg2[%dma_start3A_364, %dma_start3A_365] : memref<10000x128xf32, #tpu.memory_space<hbm>> -> memref<10000x128xf32, #tpu.memory_space<hbm>>
        tpu.enqueue_indirect_dma source(%dma_start3A_366 : memref<10000x128xf32, #tpu.memory_space<hbm>>) target(%dma_start3A_360 : memref<64x128xf32, #tpu.memory_space<vmem>>) offsets(%dma_start3A_363 : memref<64xi32, #tpu.memory_space<vmem>>) semaphore(%arg11 : memref<!tpu.dma_semaphore, #tpu.memory_space<semaphore_mem>>)
        %dma_start3A_367 = arith.constant 64 : i32
        %dma_start3A_368 = arith.constant 0 : i32
        %dma_start3A_369 = tpu.memref_slice %arg9[%dma_start3A_367, %dma_start3A_368] : memref<128x128xf32, #tpu.memory_space<vmem>> -> memref<64x128xf32, #tpu.memory_space<vmem>>
        %dma_start3A_370 = arith.constant 64 : i32
        %dma_start3A_371 = tpu.memref_slice %arg7[%add3A_357, %dma_start3A_370] : memref<40x128xi32, #tpu.memory_space<vmem>> -> memref<1x64xi32, #tpu.memory_space<vmem>>
        %dma_start3A_372 = tpu.memref_squeeze %dma_start3A_371 : memref<1x64xi32, #tpu.memory_space<vmem>> -> memref<64xi32, #tpu.memory_space<vmem>>
        %dma_start3A_373 = arith.constant 0 : i32
        %dma_start3A_374 = arith.constant 0 : i32
        %dma_start3A_375 = tpu.memref_slice %arg2[%dma_start3A_373, %dma_start3A_374] : memref<10000x128xf32, #tpu.memory_space<hbm>> -> memref<10000x128xf32, #tpu.memory_space<hbm>>
        tpu.enqueue_indirect_dma source(%dma_start3A_375 : memref<10000x128xf32, #tpu.memory_space<hbm>>) target(%dma_start3A_369 : memref<64x128xf32, #tpu.memory_space<vmem>>) offsets(%dma_start3A_372 : memref<64xi32, #tpu.memory_space<vmem>>) semaphore(%arg11 : memref<!tpu.dma_semaphore, #tpu.memory_space<semaphore_mem>>)
      } else {
      }
      %dma_wait3A_349 = arith.constant 0 : i32
      %dma_wait3A_350 = tpu.memref_slice %arg7[%add3A_320, %dma_wait3A_349] : memref<40x128xi32, #tpu.memory_space<vmem>> -> memref<1x128xi32, #tpu.memory_space<vmem>>
      %dma_wait3A_351 = tpu.memref_squeeze %dma_wait3A_350 : memref<1x128xi32, #tpu.memory_space<vmem>> -> memref<128xi32, #tpu.memory_space<vmem>>
      %dma_wait3A_352 = arith.constant 0 : i32
      %dma_wait3A_353 = arith.constant 0 : i32
      %dma_wait3A_354 = tpu.memref_slice %arg2[%dma_wait3A_352, %dma_wait3A_353] : memref<10000x128xf32, #tpu.memory_space<hbm>> -> memref<10000x128xf32, #tpu.memory_space<hbm>>
      tpu.wait_indirect_dma semaphore(%arg12 : memref<!tpu.dma_semaphore, #tpu.memory_space<semaphore_mem>>) src(%dma_wait3A_354 : memref<10000x128xf32, #tpu.memory_space<hbm>>) dst(%arg10 : memref<128x128xf32, #tpu.memory_space<vmem>>)
      "tpu.region"() ({
        %run_scoped3A = tpu.sem_alloc : memref<!tpu.dma_semaphore, #tpu.memory_space<semaphore_mem>>
        %dma_start3A_356 = arith.constant 0 : i32
        %dma_start3A_357 = tpu.memref_slice %arg8[%add3A_320, %dma_start3A_356] : memref<40x128xi32, #tpu.memory_space<vmem>> -> memref<1x128xi32, #tpu.memory_space<vmem>>
        %dma_start3A_358 = tpu.memref_squeeze %dma_start3A_357 : memref<1x128xi32, #tpu.memory_space<vmem>> -> memref<128xi32, #tpu.memory_space<vmem>>
        %dma_start3A_359 = arith.constant 0 : i32
        %dma_start3A_360 = arith.constant 0 : i32
        %dma_start3A_361 = tpu.memref_slice %arg6[%dma_start3A_359, %dma_start3A_360] : memref<10240x128xf32, #tpu.memory_space<vmem_shared>> -> memref<10240x128xf32, #tpu.memory_space<vmem_shared>>
        tpu.enqueue_indirect_dma source(%arg10 : memref<128x128xf32, #tpu.memory_space<vmem>>) target(%dma_start3A_361 : memref<10240x128xf32, #tpu.memory_space<vmem_shared>>) offsets(%dma_start3A_358 : memref<128xi32, #tpu.memory_space<vmem>>) semaphore(%run_scoped3A : memref<!tpu.dma_semaphore, #tpu.memory_space<semaphore_mem>>) {add = true}
        %dma_wait3A_362 = arith.constant 0 : i32
        %dma_wait3A_363 = tpu.memref_slice %arg8[%add3A_320, %dma_wait3A_362] : memref<40x128xi32, #tpu.memory_space<vmem>> -> memref<1x128xi32, #tpu.memory_space<vmem>>
        %dma_wait3A_364 = tpu.memref_squeeze %dma_wait3A_363 : memref<1x128xi32, #tpu.memory_space<vmem>> -> memref<128xi32, #tpu.memory_space<vmem>>
        %dma_wait3A_365 = arith.constant 0 : i32
        %dma_wait3A_366 = arith.constant 0 : i32
        %dma_wait3A_367 = tpu.memref_slice %arg6[%dma_wait3A_365, %dma_wait3A_366] : memref<10240x128xf32, #tpu.memory_space<vmem_shared>> -> memref<10240x128xf32, #tpu.memory_space<vmem_shared>>
        tpu.wait_indirect_dma semaphore(%run_scoped3A : memref<!tpu.dma_semaphore, #tpu.memory_space<semaphore_mem>>) src(%arg10 : memref<128x128xf32, #tpu.memory_space<vmem>>) dst(%dma_wait3A_367 : memref<10240x128xf32, #tpu.memory_space<vmem_shared>>)
        tpu.yield
      }) : () -> ()
      %scan3A_355 = arith.constant 0 : i32
      scf.yield %scan3A_355 : i32
    }
    %scan3A_143 = arith.constant 20 : i32
    "tpu.region"() ({
      %run_scoped3A = tpu.sem_alloc : memref<!tpu.dma_semaphore, #tpu.memory_space<semaphore_mem>>
      %dma_start3A_315 = arith.constant 40 : i32
      %dma_start3A_316 = arith.constant 0 : i32
      %dma_start3A_317 = tpu.memref_slice %arg3[%add3A, %dma_start3A_315, %dma_start3A_316] : memref<32x80x128xi32, #tpu.memory_space<hbm>> -> memref<1x40x128xi32, #tpu.memory_space<hbm>>
      %dma_start3A_318 = tpu.memref_squeeze %dma_start3A_317 : memref<1x40x128xi32, #tpu.memory_space<hbm>> -> memref<40x128xi32, #tpu.memory_space<hbm>>
      %dma_start3A_319 = arith.constant 40 : i32
      %dma_start3A_320 = arith.constant 0 : i32
      %dma_start3A_321 = tpu.memref_slice %arg3[%add3A, %dma_start3A_319, %dma_start3A_320] : memref<32x80x128xi32, #tpu.memory_space<hbm>> -> memref<1x40x128xi32, #tpu.memory_space<hbm>>
      %dma_start3A_322 = tpu.memref_squeeze %dma_start3A_321 : memref<1x40x128xi32, #tpu.memory_space<hbm>> -> memref<40x128xi32, #tpu.memory_space<hbm>>
      tpu.enqueue_dma source(%dma_start3A_322 : memref<40x128xi32, #tpu.memory_space<hbm>>) target(%arg7 : memref<40x128xi32, #tpu.memory_space<vmem>>) target_semaphore(%run_scoped3A : memref<!tpu.dma_semaphore, #tpu.memory_space<semaphore_mem>>)
      %dma_wait3A_323 = arith.constant 40 : i32
      %dma_wait3A_324 = arith.constant 0 : i32
      %dma_wait3A_325 = tpu.memref_slice %arg3[%add3A, %dma_wait3A_323, %dma_wait3A_324] : memref<32x80x128xi32, #tpu.memory_space<hbm>> -> memref<1x40x128xi32, #tpu.memory_space<hbm>>
      %dma_wait3A_326 = tpu.memref_squeeze %dma_wait3A_325 : memref<1x40x128xi32, #tpu.memory_space<hbm>> -> memref<40x128xi32, #tpu.memory_space<hbm>>
      %dma_wait3A_327 = arith.constant 40 : i32
      %dma_wait3A_328 = arith.constant 0 : i32
      %dma_wait3A_329 = tpu.memref_slice %arg3[%add3A, %dma_wait3A_327, %dma_wait3A_328] : memref<32x80x128xi32, #tpu.memory_space<hbm>> -> memref<1x40x128xi32, #tpu.memory_space<hbm>>
      %dma_wait3A_330 = tpu.memref_squeeze %dma_wait3A_329 : memref<1x40x128xi32, #tpu.memory_space<hbm>> -> memref<40x128xi32, #tpu.memory_space<hbm>>
      tpu.wait_dma2 semaphore(%run_scoped3A : memref<!tpu.dma_semaphore, #tpu.memory_space<semaphore_mem>>) src(%dma_wait3A_330 : memref<40x128xi32, #tpu.memory_space<hbm>>) dst(%arg7 : memref<40x128xi32, #tpu.memory_space<vmem>>)
      tpu.yield
    }) : () -> ()
    "tpu.region"() ({
      %run_scoped3A = tpu.sem_alloc : memref<!tpu.dma_semaphore, #tpu.memory_space<semaphore_mem>>
      %dma_start3A_315 = arith.constant 40 : i32
      %dma_start3A_316 = arith.constant 0 : i32
      %dma_start3A_317 = tpu.memref_slice %arg4[%add3A, %dma_start3A_315, %dma_start3A_316] : memref<32x80x128xi32, #tpu.memory_space<hbm>> -> memref<1x40x128xi32, #tpu.memory_space<hbm>>
      %dma_start3A_318 = tpu.memref_squeeze %dma_start3A_317 : memref<1x40x128xi32, #tpu.memory_space<hbm>> -> memref<40x128xi32, #tpu.memory_space<hbm>>
      %dma_start3A_319 = arith.constant 40 : i32
      %dma_start3A_320 = arith.constant 0 : i32
      %dma_start3A_321 = tpu.memref_slice %arg4[%add3A, %dma_start3A_319, %dma_start3A_320] : memref<32x80x128xi32, #tpu.memory_space<hbm>> -> memref<1x40x128xi32, #tpu.memory_space<hbm>>
      %dma_start3A_322 = tpu.memref_squeeze %dma_start3A_321 : memref<1x40x128xi32, #tpu.memory_space<hbm>> -> memref<40x128xi32, #tpu.memory_space<hbm>>
      tpu.enqueue_dma source(%dma_start3A_322 : memref<40x128xi32, #tpu.memory_space<hbm>>) target(%arg8 : memref<40x128xi32, #tpu.memory_space<vmem>>) target_semaphore(%run_scoped3A : memref<!tpu.dma_semaphore, #tpu.memory_space<semaphore_mem>>)
      %dma_wait3A_323 = arith.constant 40 : i32
      %dma_wait3A_324 = arith.constant 0 : i32
      %dma_wait3A_325 = tpu.memref_slice %arg4[%add3A, %dma_wait3A_323, %dma_wait3A_324] : memref<32x80x128xi32, #tpu.memory_space<hbm>> -> memref<1x40x128xi32, #tpu.memory_space<hbm>>
      %dma_wait3A_326 = tpu.memref_squeeze %dma_wait3A_325 : memref<1x40x128xi32, #tpu.memory_space<hbm>> -> memref<40x128xi32, #tpu.memory_space<hbm>>
      %dma_wait3A_327 = arith.constant 40 : i32
      %dma_wait3A_328 = arith.constant 0 : i32
      %dma_wait3A_329 = tpu.memref_slice %arg4[%add3A, %dma_wait3A_327, %dma_wait3A_328] : memref<32x80x128xi32, #tpu.memory_space<hbm>> -> memref<1x40x128xi32, #tpu.memory_space<hbm>>
      %dma_wait3A_330 = tpu.memref_squeeze %dma_wait3A_329 : memref<1x40x128xi32, #tpu.memory_space<hbm>> -> memref<40x128xi32, #tpu.memory_space<hbm>>
      tpu.wait_dma2 semaphore(%run_scoped3A : memref<!tpu.dma_semaphore, #tpu.memory_space<semaphore_mem>>) src(%dma_wait3A_330 : memref<40x128xi32, #tpu.memory_space<hbm>>) dst(%arg8 : memref<40x128xi32, #tpu.memory_space<vmem>>)
      tpu.yield
    }) : () -> ()
    %dma_start3A_144 = arith.constant 0 : i32
    %dma_start3A_145 = arith.constant 0 : i32
    %dma_start3A_146 = arith.constant 0 : i32
    %dma_start3A_147 = tpu.memref_slice %arg9[%dma_start3A_145, %dma_start3A_146] : memref<128x128xf32, #tpu.memory_space<vmem>> -> memref<64x128xf32, #tpu.memory_space<vmem>>
    %dma_start3A_148 = arith.constant 0 : i32
    %dma_start3A_149 = tpu.memref_slice %arg7[%dma_start3A_144, %dma_start3A_148] : memref<40x128xi32, #tpu.memory_space<vmem>> -> memref<1x64xi32, #tpu.memory_space<vmem>>
    %dma_start3A_150 = tpu.memref_squeeze %dma_start3A_149 : memref<1x64xi32, #tpu.memory_space<vmem>> -> memref<64xi32, #tpu.memory_space<vmem>>
    %dma_start3A_151 = arith.constant 0 : i32
    %dma_start3A_152 = arith.constant 0 : i32
    %dma_start3A_153 = tpu.memref_slice %arg2[%dma_start3A_151, %dma_start3A_152] : memref<10000x128xf32, #tpu.memory_space<hbm>> -> memref<10000x128xf32, #tpu.memory_space<hbm>>
    tpu.enqueue_indirect_dma source(%dma_start3A_153 : memref<10000x128xf32, #tpu.memory_space<hbm>>) target(%dma_start3A_147 : memref<64x128xf32, #tpu.memory_space<vmem>>) offsets(%dma_start3A_150 : memref<64xi32, #tpu.memory_space<vmem>>) semaphore(%arg11 : memref<!tpu.dma_semaphore, #tpu.memory_space<semaphore_mem>>)
    %dma_start3A_154 = arith.constant 0 : i32
    %dma_start3A_155 = arith.constant 64 : i32
    %dma_start3A_156 = arith.constant 0 : i32
    %dma_start3A_157 = tpu.memref_slice %arg9[%dma_start3A_155, %dma_start3A_156] : memref<128x128xf32, #tpu.memory_space<vmem>> -> memref<64x128xf32, #tpu.memory_space<vmem>>
    %dma_start3A_158 = arith.constant 64 : i32
    %dma_start3A_159 = tpu.memref_slice %arg7[%dma_start3A_154, %dma_start3A_158] : memref<40x128xi32, #tpu.memory_space<vmem>> -> memref<1x64xi32, #tpu.memory_space<vmem>>
    %dma_start3A_160 = tpu.memref_squeeze %dma_start3A_159 : memref<1x64xi32, #tpu.memory_space<vmem>> -> memref<64xi32, #tpu.memory_space<vmem>>
    %dma_start3A_161 = arith.constant 0 : i32
    %dma_start3A_162 = arith.constant 0 : i32
    %dma_start3A_163 = tpu.memref_slice %arg2[%dma_start3A_161, %dma_start3A_162] : memref<10000x128xf32, #tpu.memory_space<hbm>> -> memref<10000x128xf32, #tpu.memory_space<hbm>>
    tpu.enqueue_indirect_dma source(%dma_start3A_163 : memref<10000x128xf32, #tpu.memory_space<hbm>>) target(%dma_start3A_157 : memref<64x128xf32, #tpu.memory_space<vmem>>) offsets(%dma_start3A_160 : memref<64xi32, #tpu.memory_space<vmem>>) semaphore(%arg11 : memref<!tpu.dma_semaphore, #tpu.memory_space<semaphore_mem>>)
    %scan3A_164 = arith.constant 0 : i32
    %scan3A_165 = arith.constant 0 : i32
    %scan3A_166 = arith.constant 20 : i32
    %scan3A_167 = arith.addi %scan3A_165, %scan3A_166 : i32
    %scan3A_168 = arith.constant 1 : i32
    %scan3A_169 = scf.for %scan3A_315 = %scan3A_165 to %scan3A_167 step %scan3A_168 iter_args(%scan3A_316 = %scan3A_164) -> (i32)  : i32 {
      %mul3A_317 = arith.constant 2 : i32
      %mul3A_318 = arith.muli %mul3A_317, %scan3A_315 : i32
      %add3A_319 = arith.constant 1 : i32
      %add3A_320 = arith.addi %mul3A_318, %add3A_319 : i32
      %dma_wait3A_321 = arith.constant 0 : i32
      %dma_wait3A_322 = tpu.memref_slice %arg7[%mul3A_318, %dma_wait3A_321] : memref<40x128xi32, #tpu.memory_space<vmem>> -> memref<1x128xi32, #tpu.memory_space<vmem>>
      %dma_wait3A_323 = tpu.memref_squeeze %dma_wait3A_322 : memref<1x128xi32, #tpu.memory_space<vmem>> -> memref<128xi32, #tpu.memory_space<vmem>>
      %dma_wait3A_324 = arith.constant 0 : i32
      %dma_wait3A_325 = arith.constant 0 : i32
      %dma_wait3A_326 = tpu.memref_slice %arg2[%dma_wait3A_324, %dma_wait3A_325] : memref<10000x128xf32, #tpu.memory_space<hbm>> -> memref<10000x128xf32, #tpu.memory_space<hbm>>
      tpu.wait_indirect_dma semaphore(%arg11 : memref<!tpu.dma_semaphore, #tpu.memory_space<semaphore_mem>>) src(%dma_wait3A_326 : memref<10000x128xf32, #tpu.memory_space<hbm>>) dst(%arg9 : memref<128x128xf32, #tpu.memory_space<vmem>>)
      %dma_start3A_327 = arith.constant 0 : i32
      %dma_start3A_328 = arith.constant 0 : i32
      %dma_start3A_329 = tpu.memref_slice %arg10[%dma_start3A_327, %dma_start3A_328] : memref<128x128xf32, #tpu.memory_space<vmem>> -> memref<64x128xf32, #tpu.memory_space<vmem>>
      %dma_start3A_330 = arith.constant 0 : i32
      %dma_start3A_331 = tpu.memref_slice %arg7[%add3A_320, %dma_start3A_330] : memref<40x128xi32, #tpu.memory_space<vmem>> -> memref<1x64xi32, #tpu.memory_space<vmem>>
      %dma_start3A_332 = tpu.memref_squeeze %dma_start3A_331 : memref<1x64xi32, #tpu.memory_space<vmem>> -> memref<64xi32, #tpu.memory_space<vmem>>
      %dma_start3A_333 = arith.constant 0 : i32
      %dma_start3A_334 = arith.constant 0 : i32
      %dma_start3A_335 = tpu.memref_slice %arg2[%dma_start3A_333, %dma_start3A_334] : memref<10000x128xf32, #tpu.memory_space<hbm>> -> memref<10000x128xf32, #tpu.memory_space<hbm>>
      tpu.enqueue_indirect_dma source(%dma_start3A_335 : memref<10000x128xf32, #tpu.memory_space<hbm>>) target(%dma_start3A_329 : memref<64x128xf32, #tpu.memory_space<vmem>>) offsets(%dma_start3A_332 : memref<64xi32, #tpu.memory_space<vmem>>) semaphore(%arg12 : memref<!tpu.dma_semaphore, #tpu.memory_space<semaphore_mem>>)
      %dma_start3A_336 = arith.constant 64 : i32
      %dma_start3A_337 = arith.constant 0 : i32
      %dma_start3A_338 = tpu.memref_slice %arg10[%dma_start3A_336, %dma_start3A_337] : memref<128x128xf32, #tpu.memory_space<vmem>> -> memref<64x128xf32, #tpu.memory_space<vmem>>
      %dma_start3A_339 = arith.constant 64 : i32
      %dma_start3A_340 = tpu.memref_slice %arg7[%add3A_320, %dma_start3A_339] : memref<40x128xi32, #tpu.memory_space<vmem>> -> memref<1x64xi32, #tpu.memory_space<vmem>>
      %dma_start3A_341 = tpu.memref_squeeze %dma_start3A_340 : memref<1x64xi32, #tpu.memory_space<vmem>> -> memref<64xi32, #tpu.memory_space<vmem>>
      %dma_start3A_342 = arith.constant 0 : i32
      %dma_start3A_343 = arith.constant 0 : i32
      %dma_start3A_344 = tpu.memref_slice %arg2[%dma_start3A_342, %dma_start3A_343] : memref<10000x128xf32, #tpu.memory_space<hbm>> -> memref<10000x128xf32, #tpu.memory_space<hbm>>
      tpu.enqueue_indirect_dma source(%dma_start3A_344 : memref<10000x128xf32, #tpu.memory_space<hbm>>) target(%dma_start3A_338 : memref<64x128xf32, #tpu.memory_space<vmem>>) offsets(%dma_start3A_341 : memref<64xi32, #tpu.memory_space<vmem>>) semaphore(%arg12 : memref<!tpu.dma_semaphore, #tpu.memory_space<semaphore_mem>>)
      "tpu.region"() ({
        %run_scoped3A = tpu.sem_alloc : memref<!tpu.dma_semaphore, #tpu.memory_space<semaphore_mem>>
        %dma_start3A_356 = arith.constant 0 : i32
        %dma_start3A_357 = tpu.memref_slice %arg8[%mul3A_318, %dma_start3A_356] : memref<40x128xi32, #tpu.memory_space<vmem>> -> memref<1x128xi32, #tpu.memory_space<vmem>>
        %dma_start3A_358 = tpu.memref_squeeze %dma_start3A_357 : memref<1x128xi32, #tpu.memory_space<vmem>> -> memref<128xi32, #tpu.memory_space<vmem>>
        %dma_start3A_359 = arith.constant 0 : i32
        %dma_start3A_360 = arith.constant 0 : i32
        %dma_start3A_361 = tpu.memref_slice %arg6[%dma_start3A_359, %dma_start3A_360] : memref<10240x128xf32, #tpu.memory_space<vmem_shared>> -> memref<10240x128xf32, #tpu.memory_space<vmem_shared>>
        tpu.enqueue_indirect_dma source(%arg9 : memref<128x128xf32, #tpu.memory_space<vmem>>) target(%dma_start3A_361 : memref<10240x128xf32, #tpu.memory_space<vmem_shared>>) offsets(%dma_start3A_358 : memref<128xi32, #tpu.memory_space<vmem>>) semaphore(%run_scoped3A : memref<!tpu.dma_semaphore, #tpu.memory_space<semaphore_mem>>) {add = true}
        %dma_wait3A_362 = arith.constant 0 : i32
        %dma_wait3A_363 = tpu.memref_slice %arg8[%mul3A_318, %dma_wait3A_362] : memref<40x128xi32, #tpu.memory_space<vmem>> -> memref<1x128xi32, #tpu.memory_space<vmem>>
        %dma_wait3A_364 = tpu.memref_squeeze %dma_wait3A_363 : memref<1x128xi32, #tpu.memory_space<vmem>> -> memref<128xi32, #tpu.memory_space<vmem>>
        %dma_wait3A_365 = arith.constant 0 : i32
        %dma_wait3A_366 = arith.constant 0 : i32
        %dma_wait3A_367 = tpu.memref_slice %arg6[%dma_wait3A_365, %dma_wait3A_366] : memref<10240x128xf32, #tpu.memory_space<vmem_shared>> -> memref<10240x128xf32, #tpu.memory_space<vmem_shared>>
        tpu.wait_indirect_dma semaphore(%run_scoped3A : memref<!tpu.dma_semaphore, #tpu.memory_space<semaphore_mem>>) src(%arg9 : memref<128x128xf32, #tpu.memory_space<vmem>>) dst(%dma_wait3A_367 : memref<10240x128xf32, #tpu.memory_space<vmem_shared>>)
        tpu.yield
      }) : () -> ()
      %add3A_345 = arith.constant 1 : i32
      %add3A_346 = arith.addi %add3A_320, %add3A_345 : i32
      %lt3A = arith.constant 40 : i32
      %lt3A_347 = arith.cmpi slt, %add3A_346, %lt3A : i32
      %convert_element_type3A = arith.extui %lt3A_347 : i1 to i32
      %cond3A = arith.constant 0 : i32
      %cond3A_348 = arith.cmpi ne, %convert_element_type3A, %cond3A : i32
      scf.if %cond3A_348 {
        %add3A_356 = arith.constant 1 : i32
        %add3A_357 = arith.addi %add3A_320, %add3A_356 : i32
        %dma_start3A_358 = arith.constant 0 : i32
        %dma_start3A_359 = arith.constant 0 : i32
        %dma_start3A_360 = tpu.memref_slice %arg9[%dma_start3A_358, %dma_start3A_359] : memref<128x128xf32, #tpu.memory_space<vmem>> -> memref<64x128xf32, #tpu.memory_space<vmem>>
        %dma_start3A_361 = arith.constant 0 : i32
        %dma_start3A_362 = tpu.memref_slice %arg7[%add3A_357, %dma_start3A_361] : memref<40x128xi32, #tpu.memory_space<vmem>> -> memref<1x64xi32, #tpu.memory_space<vmem>>
        %dma_start3A_363 = tpu.memref_squeeze %dma_start3A_362 : memref<1x64xi32, #tpu.memory_space<vmem>> -> memref<64xi32, #tpu.memory_space<vmem>>
        %dma_start3A_364 = arith.constant 0 : i32
        %dma_start3A_365 = arith.constant 0 : i32
        %dma_start3A_366 = tpu.memref_slice %arg2[%dma_start3A_364, %dma_start3A_365] : memref<10000x128xf32, #tpu.memory_space<hbm>> -> memref<10000x128xf32, #tpu.memory_space<hbm>>
        tpu.enqueue_indirect_dma source(%dma_start3A_366 : memref<10000x128xf32, #tpu.memory_space<hbm>>) target(%dma_start3A_360 : memref<64x128xf32, #tpu.memory_space<vmem>>) offsets(%dma_start3A_363 : memref<64xi32, #tpu.memory_space<vmem>>) semaphore(%arg11 : memref<!tpu.dma_semaphore, #tpu.memory_space<semaphore_mem>>)
        %dma_start3A_367 = arith.constant 64 : i32
        %dma_start3A_368 = arith.constant 0 : i32
        %dma_start3A_369 = tpu.memref_slice %arg9[%dma_start3A_367, %dma_start3A_368] : memref<128x128xf32, #tpu.memory_space<vmem>> -> memref<64x128xf32, #tpu.memory_space<vmem>>
        %dma_start3A_370 = arith.constant 64 : i32
        %dma_start3A_371 = tpu.memref_slice %arg7[%add3A_357, %dma_start3A_370] : memref<40x128xi32, #tpu.memory_space<vmem>> -> memref<1x64xi32, #tpu.memory_space<vmem>>
        %dma_start3A_372 = tpu.memref_squeeze %dma_start3A_371 : memref<1x64xi32, #tpu.memory_space<vmem>> -> memref<64xi32, #tpu.memory_space<vmem>>
        %dma_start3A_373 = arith.constant 0 : i32
        %dma_start3A_374 = arith.constant 0 : i32
        %dma_start3A_375 = tpu.memref_slice %arg2[%dma_start3A_373, %dma_start3A_374] : memref<10000x128xf32, #tpu.memory_space<hbm>> -> memref<10000x128xf32, #tpu.memory_space<hbm>>
        tpu.enqueue_indirect_dma source(%dma_start3A_375 : memref<10000x128xf32, #tpu.memory_space<hbm>>) target(%dma_start3A_369 : memref<64x128xf32, #tpu.memory_space<vmem>>) offsets(%dma_start3A_372 : memref<64xi32, #tpu.memory_space<vmem>>) semaphore(%arg11 : memref<!tpu.dma_semaphore, #tpu.memory_space<semaphore_mem>>)
      } else {
      }
      %dma_wait3A_349 = arith.constant 0 : i32
      %dma_wait3A_350 = tpu.memref_slice %arg7[%add3A_320, %dma_wait3A_349] : memref<40x128xi32, #tpu.memory_space<vmem>> -> memref<1x128xi32, #tpu.memory_space<vmem>>
      %dma_wait3A_351 = tpu.memref_squeeze %dma_wait3A_350 : memref<1x128xi32, #tpu.memory_space<vmem>> -> memref<128xi32, #tpu.memory_space<vmem>>
      %dma_wait3A_352 = arith.constant 0 : i32
      %dma_wait3A_353 = arith.constant 0 : i32
      %dma_wait3A_354 = tpu.memref_slice %arg2[%dma_wait3A_352, %dma_wait3A_353] : memref<10000x128xf32, #tpu.memory_space<hbm>> -> memref<10000x128xf32, #tpu.memory_space<hbm>>
      tpu.wait_indirect_dma semaphore(%arg12 : memref<!tpu.dma_semaphore, #tpu.memory_space<semaphore_mem>>) src(%dma_wait3A_354 : memref<10000x128xf32, #tpu.memory_space<hbm>>) dst(%arg10 : memref<128x128xf32, #tpu.memory_space<vmem>>)
      "tpu.region"() ({
        %run_scoped3A = tpu.sem_alloc : memref<!tpu.dma_semaphore, #tpu.memory_space<semaphore_mem>>
        %dma_start3A_356 = arith.constant 0 : i32
        %dma_start3A_357 = tpu.memref_slice %arg8[%add3A_320, %dma_start3A_356] : memref<40x128xi32, #tpu.memory_space<vmem>> -> memref<1x128xi32, #tpu.memory_space<vmem>>
        %dma_start3A_358 = tpu.memref_squeeze %dma_start3A_357 : memref<1x128xi32, #tpu.memory_space<vmem>> -> memref<128xi32, #tpu.memory_space<vmem>>
        %dma_start3A_359 = arith.constant 0 : i32
        %dma_start3A_360 = arith.constant 0 : i32
        %dma_start3A_361 = tpu.memref_slice %arg6[%dma_start3A_359, %dma_start3A_360] : memref<10240x128xf32, #tpu.memory_space<vmem_shared>> -> memref<10240x128xf32, #tpu.memory_space<vmem_shared>>
        tpu.enqueue_indirect_dma source(%arg10 : memref<128x128xf32, #tpu.memory_space<vmem>>) target(%dma_start3A_361 : memref<10240x128xf32, #tpu.memory_space<vmem_shared>>) offsets(%dma_start3A_358 : memref<128xi32, #tpu.memory_space<vmem>>) semaphore(%run_scoped3A : memref<!tpu.dma_semaphore, #tpu.memory_space<semaphore_mem>>) {add = true}
        %dma_wait3A_362 = arith.constant 0 : i32
        %dma_wait3A_363 = tpu.memref_slice %arg8[%add3A_320, %dma_wait3A_362] : memref<40x128xi32, #tpu.memory_space<vmem>> -> memref<1x128xi32, #tpu.memory_space<vmem>>
        %dma_wait3A_364 = tpu.memref_squeeze %dma_wait3A_363 : memref<1x128xi32, #tpu.memory_space<vmem>> -> memref<128xi32, #tpu.memory_space<vmem>>
        %dma_wait3A_365 = arith.constant 0 : i32
        %dma_wait3A_366 = arith.constant 0 : i32
        %dma_wait3A_367 = tpu.memref_slice %arg6[%dma_wait3A_365, %dma_wait3A_366] : memref<10240x128xf32, #tpu.memory_space<vmem_shared>> -> memref<10240x128xf32, #tpu.memory_space<vmem_shared>>
        tpu.wait_indirect_dma semaphore(%run_scoped3A : memref<!tpu.dma_semaphore, #tpu.memory_space<semaphore_mem>>) src(%arg10 : memref<128x128xf32, #tpu.memory_space<vmem>>) dst(%dma_wait3A_367 : memref<10240x128xf32, #tpu.memory_space<vmem_shared>>)
        tpu.yield
      }) : () -> ()
      %scan3A_355 = arith.constant 0 : i32
      scf.yield %scan3A_355 : i32
    }
    %scan3A_170 = arith.constant 20 : i32
    %barrier3A_171 = arith.constant 0 : index
    tpu.barrier barrier_id(%barrier3A_171)
    %mul3A_172 = arith.constant 640 : i32
    %mul3A_173 = arith.muli %arg1, %mul3A_172 : i32
    %dma_start3A_174 = arith.constant 0 : i32
    %dma_start3A_175 = tpu.memref_slice %arg6[%mul3A_173, %dma_start3A_174] : memref<10240x128xf32, #tpu.memory_space<vmem_shared>> -> memref<128x128xf32, #tpu.memory_space<vmem_shared>>
    %dma_start3A_176 = arith.constant 0 : i32
    %dma_start3A_177 = tpu.memref_slice %arg6[%mul3A_173, %dma_start3A_176] : memref<10240x128xf32, #tpu.memory_space<vmem_shared>> -> memref<128x128xf32, #tpu.memory_space<vmem_shared>>
    tpu.enqueue_dma source(%dma_start3A_177 : memref<128x128xf32, #tpu.memory_space<vmem_shared>>) target(%arg9 : memref<128x128xf32, #tpu.memory_space<vmem>>) target_semaphore(%arg11 : memref<!tpu.dma_semaphore, #tpu.memory_space<semaphore_mem>>)
    %mul3A_178 = arith.constant 640 : i32
    %mul3A_179 = arith.muli %arg1, %mul3A_178 : i32
    %add3A_180 = arith.constant 0 : i32
    %add3A_181 = arith.addi %mul3A_179, %add3A_180 : i32
    %dma_wait3A_182 = arith.constant 0 : i32
    %dma_wait3A_183 = tpu.memref_slice %arg6[%add3A_181, %dma_wait3A_182] : memref<10240x128xf32, #tpu.memory_space<vmem_shared>> -> memref<128x128xf32, #tpu.memory_space<vmem_shared>>
    %dma_wait3A_184 = arith.constant 0 : i32
    %dma_wait3A_185 = tpu.memref_slice %arg6[%add3A_181, %dma_wait3A_184] : memref<10240x128xf32, #tpu.memory_space<vmem_shared>> -> memref<128x128xf32, #tpu.memory_space<vmem_shared>>
    tpu.wait_dma2 semaphore(%arg11 : memref<!tpu.dma_semaphore, #tpu.memory_space<semaphore_mem>>) src(%dma_wait3A_185 : memref<128x128xf32, #tpu.memory_space<vmem_shared>>) dst(%arg9 : memref<128x128xf32, #tpu.memory_space<vmem>>)
    %add3A_186 = arith.constant 128 : i32
    %add3A_187 = arith.addi %add3A_181, %add3A_186 : i32
    %dma_start3A_188 = arith.constant 0 : i32
    %dma_start3A_189 = tpu.memref_slice %arg6[%add3A_187, %dma_start3A_188] : memref<10240x128xf32, #tpu.memory_space<vmem_shared>> -> memref<128x128xf32, #tpu.memory_space<vmem_shared>>
    %dma_start3A_190 = arith.constant 0 : i32
    %dma_start3A_191 = tpu.memref_slice %arg6[%add3A_187, %dma_start3A_190] : memref<10240x128xf32, #tpu.memory_space<vmem_shared>> -> memref<128x128xf32, #tpu.memory_space<vmem_shared>>
    tpu.enqueue_dma source(%dma_start3A_191 : memref<128x128xf32, #tpu.memory_space<vmem_shared>>) target(%arg10 : memref<128x128xf32, #tpu.memory_space<vmem>>) target_semaphore(%arg12 : memref<!tpu.dma_semaphore, #tpu.memory_space<semaphore_mem>>)
    %dma_start3A_192 = arith.constant 0 : i32
    %dma_start3A_193 = tpu.memref_slice %arg5[%arg0, %add3A_181, %dma_start3A_192] : memref<2x10240x128xf32, #tpu.memory_space<hbm>> -> memref<1x128x128xf32, #tpu.memory_space<hbm>>
    %dma_start3A_194 = tpu.memref_squeeze %dma_start3A_193 : memref<1x128x128xf32, #tpu.memory_space<hbm>> -> memref<128x128xf32, #tpu.memory_space<hbm>>
    %dma_start3A_195 = arith.constant 0 : i32
    %dma_start3A_196 = tpu.memref_slice %arg5[%arg0, %add3A_181, %dma_start3A_195] : memref<2x10240x128xf32, #tpu.memory_space<hbm>> -> memref<1x128x128xf32, #tpu.memory_space<hbm>>
    %dma_start3A_197 = tpu.memref_squeeze %dma_start3A_196 : memref<1x128x128xf32, #tpu.memory_space<hbm>> -> memref<128x128xf32, #tpu.memory_space<hbm>>
    tpu.enqueue_dma source(%arg9 : memref<128x128xf32, #tpu.memory_space<vmem>>) target(%dma_start3A_197 : memref<128x128xf32, #tpu.memory_space<hbm>>) target_semaphore(%arg13 : memref<!tpu.dma_semaphore, #tpu.memory_space<semaphore_mem>>)
    %mul3A_198 = arith.constant 640 : i32
    %mul3A_199 = arith.muli %arg1, %mul3A_198 : i32
    %add3A_200 = arith.constant 128 : i32
    %add3A_201 = arith.addi %mul3A_199, %add3A_200 : i32
    %dma_wait3A_202 = arith.constant 0 : i32
    %dma_wait3A_203 = tpu.memref_slice %arg6[%add3A_201, %dma_wait3A_202] : memref<10240x128xf32, #tpu.memory_space<vmem_shared>> -> memref<128x128xf32, #tpu.memory_space<vmem_shared>>
    %dma_wait3A_204 = arith.constant 0 : i32
    %dma_wait3A_205 = tpu.memref_slice %arg6[%add3A_201, %dma_wait3A_204] : memref<10240x128xf32, #tpu.memory_space<vmem_shared>> -> memref<128x128xf32, #tpu.memory_space<vmem_shared>>
    tpu.wait_dma2 semaphore(%arg12 : memref<!tpu.dma_semaphore, #tpu.memory_space<semaphore_mem>>) src(%dma_wait3A_205 : memref<128x128xf32, #tpu.memory_space<vmem_shared>>) dst(%arg10 : memref<128x128xf32, #tpu.memory_space<vmem>>)
    %sub3A = arith.constant 128 : i32
    %sub3A_206 = arith.subi %add3A_201, %sub3A : i32
    %dma_wait3A_207 = arith.constant 0 : i32
    %dma_wait3A_208 = tpu.memref_slice %arg5[%arg0, %sub3A_206, %dma_wait3A_207] : memref<2x10240x128xf32, #tpu.memory_space<hbm>> -> memref<1x128x128xf32, #tpu.memory_space<hbm>>
    %dma_wait3A_209 = tpu.memref_squeeze %dma_wait3A_208 : memref<1x128x128xf32, #tpu.memory_space<hbm>> -> memref<128x128xf32, #tpu.memory_space<hbm>>
    %dma_wait3A_210 = arith.constant 0 : i32
    %dma_wait3A_211 = tpu.memref_slice %arg5[%arg0, %sub3A_206, %dma_wait3A_210] : memref<2x10240x128xf32, #tpu.memory_space<hbm>> -> memref<1x128x128xf32, #tpu.memory_space<hbm>>
    %dma_wait3A_212 = tpu.memref_squeeze %dma_wait3A_211 : memref<1x128x128xf32, #tpu.memory_space<hbm>> -> memref<128x128xf32, #tpu.memory_space<hbm>>
    tpu.wait_dma2 semaphore(%arg13 : memref<!tpu.dma_semaphore, #tpu.memory_space<semaphore_mem>>) src(%arg9 : memref<128x128xf32, #tpu.memory_space<vmem>>) dst(%dma_wait3A_212 : memref<128x128xf32, #tpu.memory_space<hbm>>)
    %add3A_213 = arith.constant 128 : i32
    %add3A_214 = arith.addi %add3A_201, %add3A_213 : i32
    %dma_start3A_215 = arith.constant 0 : i32
    %dma_start3A_216 = tpu.memref_slice %arg6[%add3A_214, %dma_start3A_215] : memref<10240x128xf32, #tpu.memory_space<vmem_shared>> -> memref<128x128xf32, #tpu.memory_space<vmem_shared>>
    %dma_start3A_217 = arith.constant 0 : i32
    %dma_start3A_218 = tpu.memref_slice %arg6[%add3A_214, %dma_start3A_217] : memref<10240x128xf32, #tpu.memory_space<vmem_shared>> -> memref<128x128xf32, #tpu.memory_space<vmem_shared>>
    tpu.enqueue_dma source(%dma_start3A_218 : memref<128x128xf32, #tpu.memory_space<vmem_shared>>) target(%arg9 : memref<128x128xf32, #tpu.memory_space<vmem>>) target_semaphore(%arg11 : memref<!tpu.dma_semaphore, #tpu.memory_space<semaphore_mem>>)
    %dma_start3A_219 = arith.constant 0 : i32
    %dma_start3A_220 = tpu.memref_slice %arg5[%arg0, %add3A_201, %dma_start3A_219] : memref<2x10240x128xf32, #tpu.memory_space<hbm>> -> memref<1x128x128xf32, #tpu.memory_space<hbm>>
    %dma_start3A_221 = tpu.memref_squeeze %dma_start3A_220 : memref<1x128x128xf32, #tpu.memory_space<hbm>> -> memref<128x128xf32, #tpu.memory_space<hbm>>
    %dma_start3A_222 = arith.constant 0 : i32
    %dma_start3A_223 = tpu.memref_slice %arg5[%arg0, %add3A_201, %dma_start3A_222] : memref<2x10240x128xf32, #tpu.memory_space<hbm>> -> memref<1x128x128xf32, #tpu.memory_space<hbm>>
    %dma_start3A_224 = tpu.memref_squeeze %dma_start3A_223 : memref<1x128x128xf32, #tpu.memory_space<hbm>> -> memref<128x128xf32, #tpu.memory_space<hbm>>
    tpu.enqueue_dma source(%arg10 : memref<128x128xf32, #tpu.memory_space<vmem>>) target(%dma_start3A_224 : memref<128x128xf32, #tpu.memory_space<hbm>>) target_semaphore(%arg14 : memref<!tpu.dma_semaphore, #tpu.memory_space<semaphore_mem>>)
    %mul3A_225 = arith.constant 640 : i32
    %mul3A_226 = arith.muli %arg1, %mul3A_225 : i32
    %add3A_227 = arith.constant 256 : i32
    %add3A_228 = arith.addi %mul3A_226, %add3A_227 : i32
    %dma_wait3A_229 = arith.constant 0 : i32
    %dma_wait3A_230 = tpu.memref_slice %arg6[%add3A_228, %dma_wait3A_229] : memref<10240x128xf32, #tpu.memory_space<vmem_shared>> -> memref<128x128xf32, #tpu.memory_space<vmem_shared>>
    %dma_wait3A_231 = arith.constant 0 : i32
    %dma_wait3A_232 = tpu.memref_slice %arg6[%add3A_228, %dma_wait3A_231] : memref<10240x128xf32, #tpu.memory_space<vmem_shared>> -> memref<128x128xf32, #tpu.memory_space<vmem_shared>>
    tpu.wait_dma2 semaphore(%arg11 : memref<!tpu.dma_semaphore, #tpu.memory_space<semaphore_mem>>) src(%dma_wait3A_232 : memref<128x128xf32, #tpu.memory_space<vmem_shared>>) dst(%arg9 : memref<128x128xf32, #tpu.memory_space<vmem>>)
    %sub3A_233 = arith.constant 128 : i32
    %sub3A_234 = arith.subi %add3A_228, %sub3A_233 : i32
    %dma_wait3A_235 = arith.constant 0 : i32
    %dma_wait3A_236 = tpu.memref_slice %arg5[%arg0, %sub3A_234, %dma_wait3A_235] : memref<2x10240x128xf32, #tpu.memory_space<hbm>> -> memref<1x128x128xf32, #tpu.memory_space<hbm>>
    %dma_wait3A_237 = tpu.memref_squeeze %dma_wait3A_236 : memref<1x128x128xf32, #tpu.memory_space<hbm>> -> memref<128x128xf32, #tpu.memory_space<hbm>>
    %dma_wait3A_238 = arith.constant 0 : i32
    %dma_wait3A_239 = tpu.memref_slice %arg5[%arg0, %sub3A_234, %dma_wait3A_238] : memref<2x10240x128xf32, #tpu.memory_space<hbm>> -> memref<1x128x128xf32, #tpu.memory_space<hbm>>
    %dma_wait3A_240 = tpu.memref_squeeze %dma_wait3A_239 : memref<1x128x128xf32, #tpu.memory_space<hbm>> -> memref<128x128xf32, #tpu.memory_space<hbm>>
    tpu.wait_dma2 semaphore(%arg14 : memref<!tpu.dma_semaphore, #tpu.memory_space<semaphore_mem>>) src(%arg10 : memref<128x128xf32, #tpu.memory_space<vmem>>) dst(%dma_wait3A_240 : memref<128x128xf32, #tpu.memory_space<hbm>>)
    %add3A_241 = arith.constant 128 : i32
    %add3A_242 = arith.addi %add3A_228, %add3A_241 : i32
    %dma_start3A_243 = arith.constant 0 : i32
    %dma_start3A_244 = tpu.memref_slice %arg6[%add3A_242, %dma_start3A_243] : memref<10240x128xf32, #tpu.memory_space<vmem_shared>> -> memref<128x128xf32, #tpu.memory_space<vmem_shared>>
    %dma_start3A_245 = arith.constant 0 : i32
    %dma_start3A_246 = tpu.memref_slice %arg6[%add3A_242, %dma_start3A_245] : memref<10240x128xf32, #tpu.memory_space<vmem_shared>> -> memref<128x128xf32, #tpu.memory_space<vmem_shared>>
    tpu.enqueue_dma source(%dma_start3A_246 : memref<128x128xf32, #tpu.memory_space<vmem_shared>>) target(%arg10 : memref<128x128xf32, #tpu.memory_space<vmem>>) target_semaphore(%arg12 : memref<!tpu.dma_semaphore, #tpu.memory_space<semaphore_mem>>)
    %dma_start3A_247 = arith.constant 0 : i32
    %dma_start3A_248 = tpu.memref_slice %arg5[%arg0, %add3A_228, %dma_start3A_247] : memref<2x10240x128xf32, #tpu.memory_space<hbm>> -> memref<1x128x128xf32, #tpu.memory_space<hbm>>
    %dma_start3A_249 = tpu.memref_squeeze %dma_start3A_248 : memref<1x128x128xf32, #tpu.memory_space<hbm>> -> memref<128x128xf32, #tpu.memory_space<hbm>>
    %dma_start3A_250 = arith.constant 0 : i32
    %dma_start3A_251 = tpu.memref_slice %arg5[%arg0, %add3A_228, %dma_start3A_250] : memref<2x10240x128xf32, #tpu.memory_space<hbm>> -> memref<1x128x128xf32, #tpu.memory_space<hbm>>
    %dma_start3A_252 = tpu.memref_squeeze %dma_start3A_251 : memref<1x128x128xf32, #tpu.memory_space<hbm>> -> memref<128x128xf32, #tpu.memory_space<hbm>>
    tpu.enqueue_dma source(%arg9 : memref<128x128xf32, #tpu.memory_space<vmem>>) target(%dma_start3A_252 : memref<128x128xf32, #tpu.memory_space<hbm>>) target_semaphore(%arg13 : memref<!tpu.dma_semaphore, #tpu.memory_space<semaphore_mem>>)
    %mul3A_253 = arith.constant 640 : i32
    %mul3A_254 = arith.muli %arg1, %mul3A_253 : i32
    %add3A_255 = arith.constant 384 : i32
    %add3A_256 = arith.addi %mul3A_254, %add3A_255 : i32
    %dma_wait3A_257 = arith.constant 0 : i32
    %dma_wait3A_258 = tpu.memref_slice %arg6[%add3A_256, %dma_wait3A_257] : memref<10240x128xf32, #tpu.memory_space<vmem_shared>> -> memref<128x128xf32, #tpu.memory_space<vmem_shared>>
    %dma_wait3A_259 = arith.constant 0 : i32
    %dma_wait3A_260 = tpu.memref_slice %arg6[%add3A_256, %dma_wait3A_259] : memref<10240x128xf32, #tpu.memory_space<vmem_shared>> -> memref<128x128xf32, #tpu.memory_space<vmem_shared>>
    tpu.wait_dma2 semaphore(%arg12 : memref<!tpu.dma_semaphore, #tpu.memory_space<semaphore_mem>>) src(%dma_wait3A_260 : memref<128x128xf32, #tpu.memory_space<vmem_shared>>) dst(%arg10 : memref<128x128xf32, #tpu.memory_space<vmem>>)
    %sub3A_261 = arith.constant 128 : i32
    %sub3A_262 = arith.subi %add3A_256, %sub3A_261 : i32
    %dma_wait3A_263 = arith.constant 0 : i32
    %dma_wait3A_264 = tpu.memref_slice %arg5[%arg0, %sub3A_262, %dma_wait3A_263] : memref<2x10240x128xf32, #tpu.memory_space<hbm>> -> memref<1x128x128xf32, #tpu.memory_space<hbm>>
    %dma_wait3A_265 = tpu.memref_squeeze %dma_wait3A_264 : memref<1x128x128xf32, #tpu.memory_space<hbm>> -> memref<128x128xf32, #tpu.memory_space<hbm>>
    %dma_wait3A_266 = arith.constant 0 : i32
    %dma_wait3A_267 = tpu.memref_slice %arg5[%arg0, %sub3A_262, %dma_wait3A_266] : memref<2x10240x128xf32, #tpu.memory_space<hbm>> -> memref<1x128x128xf32, #tpu.memory_space<hbm>>
    %dma_wait3A_268 = tpu.memref_squeeze %dma_wait3A_267 : memref<1x128x128xf32, #tpu.memory_space<hbm>> -> memref<128x128xf32, #tpu.memory_space<hbm>>
    tpu.wait_dma2 semaphore(%arg13 : memref<!tpu.dma_semaphore, #tpu.memory_space<semaphore_mem>>) src(%arg9 : memref<128x128xf32, #tpu.memory_space<vmem>>) dst(%dma_wait3A_268 : memref<128x128xf32, #tpu.memory_space<hbm>>)
    %add3A_269 = arith.constant 128 : i32
    %add3A_270 = arith.addi %add3A_256, %add3A_269 : i32
    %dma_start3A_271 = arith.constant 0 : i32
    %dma_start3A_272 = tpu.memref_slice %arg6[%add3A_270, %dma_start3A_271] : memref<10240x128xf32, #tpu.memory_space<vmem_shared>> -> memref<128x128xf32, #tpu.memory_space<vmem_shared>>
    %dma_start3A_273 = arith.constant 0 : i32
    %dma_start3A_274 = tpu.memref_slice %arg6[%add3A_270, %dma_start3A_273] : memref<10240x128xf32, #tpu.memory_space<vmem_shared>> -> memref<128x128xf32, #tpu.memory_space<vmem_shared>>
    tpu.enqueue_dma source(%dma_start3A_274 : memref<128x128xf32, #tpu.memory_space<vmem_shared>>) target(%arg9 : memref<128x128xf32, #tpu.memory_space<vmem>>) target_semaphore(%arg11 : memref<!tpu.dma_semaphore, #tpu.memory_space<semaphore_mem>>)
    %dma_start3A_275 = arith.constant 0 : i32
    %dma_start3A_276 = tpu.memref_slice %arg5[%arg0, %add3A_256, %dma_start3A_275] : memref<2x10240x128xf32, #tpu.memory_space<hbm>> -> memref<1x128x128xf32, #tpu.memory_space<hbm>>
    %dma_start3A_277 = tpu.memref_squeeze %dma_start3A_276 : memref<1x128x128xf32, #tpu.memory_space<hbm>> -> memref<128x128xf32, #tpu.memory_space<hbm>>
    %dma_start3A_278 = arith.constant 0 : i32
    %dma_start3A_279 = tpu.memref_slice %arg5[%arg0, %add3A_256, %dma_start3A_278] : memref<2x10240x128xf32, #tpu.memory_space<hbm>> -> memref<1x128x128xf32, #tpu.memory_space<hbm>>
    %dma_start3A_280 = tpu.memref_squeeze %dma_start3A_279 : memref<1x128x128xf32, #tpu.memory_space<hbm>> -> memref<128x128xf32, #tpu.memory_space<hbm>>
    tpu.enqueue_dma source(%arg10 : memref<128x128xf32, #tpu.memory_space<vmem>>) target(%dma_start3A_280 : memref<128x128xf32, #tpu.memory_space<hbm>>) target_semaphore(%arg14 : memref<!tpu.dma_semaphore, #tpu.memory_space<semaphore_mem>>)
    %mul3A_281 = arith.constant 640 : i32
    %mul3A_282 = arith.muli %arg1, %mul3A_281 : i32
    %add3A_283 = arith.constant 512 : i32
    %add3A_284 = arith.addi %mul3A_282, %add3A_283 : i32
    %dma_wait3A_285 = arith.constant 0 : i32
    %dma_wait3A_286 = tpu.memref_slice %arg6[%add3A_284, %dma_wait3A_285] : memref<10240x128xf32, #tpu.memory_space<vmem_shared>> -> memref<128x128xf32, #tpu.memory_space<vmem_shared>>
    %dma_wait3A_287 = arith.constant 0 : i32
    %dma_wait3A_288 = tpu.memref_slice %arg6[%add3A_284, %dma_wait3A_287] : memref<10240x128xf32, #tpu.memory_space<vmem_shared>> -> memref<128x128xf32, #tpu.memory_space<vmem_shared>>
    tpu.wait_dma2 semaphore(%arg11 : memref<!tpu.dma_semaphore, #tpu.memory_space<semaphore_mem>>) src(%dma_wait3A_288 : memref<128x128xf32, #tpu.memory_space<vmem_shared>>) dst(%arg9 : memref<128x128xf32, #tpu.memory_space<vmem>>)
    %dma_start3A_289 = arith.constant 0 : i32
    %dma_start3A_290 = tpu.memref_slice %arg5[%arg0, %add3A_284, %dma_start3A_289] : memref<2x10240x128xf32, #tpu.memory_space<hbm>> -> memref<1x128x128xf32, #tpu.memory_space<hbm>>
    %dma_start3A_291 = tpu.memref_squeeze %dma_start3A_290 : memref<1x128x128xf32, #tpu.memory_space<hbm>> -> memref<128x128xf32, #tpu.memory_space<hbm>>
    %dma_start3A_292 = arith.constant 0 : i32
    %dma_start3A_293 = tpu.memref_slice %arg5[%arg0, %add3A_284, %dma_start3A_292] : memref<2x10240x128xf32, #tpu.memory_space<hbm>> -> memref<1x128x128xf32, #tpu.memory_space<hbm>>
    %dma_start3A_294 = tpu.memref_squeeze %dma_start3A_293 : memref<1x128x128xf32, #tpu.memory_space<hbm>> -> memref<128x128xf32, #tpu.memory_space<hbm>>
    tpu.enqueue_dma source(%arg9 : memref<128x128xf32, #tpu.memory_space<vmem>>) target(%dma_start3A_294 : memref<128x128xf32, #tpu.memory_space<hbm>>) target_semaphore(%arg13 : memref<!tpu.dma_semaphore, #tpu.memory_space<semaphore_mem>>)
    %mul3A_295 = arith.constant 640 : i32
    %mul3A_296 = arith.muli %arg1, %mul3A_295 : i32
    %add3A_297 = arith.constant 384 : i32
    %add3A_298 = arith.addi %mul3A_296, %add3A_297 : i32
    %dma_wait3A_299 = arith.constant 0 : i32
    %dma_wait3A_300 = tpu.memref_slice %arg5[%arg0, %add3A_298, %dma_wait3A_299] : memref<2x10240x128xf32, #tpu.memory_space<hbm>> -> memref<1x128x128xf32, #tpu.memory_space<hbm>>
    %dma_wait3A_301 = tpu.memref_squeeze %dma_wait3A_300 : memref<1x128x128xf32, #tpu.memory_space<hbm>> -> memref<128x128xf32, #tpu.memory_space<hbm>>
    %dma_wait3A_302 = arith.constant 0 : i32
    %dma_wait3A_303 = tpu.memref_slice %arg5[%arg0, %add3A_298, %dma_wait3A_302] : memref<2x10240x128xf32, #tpu.memory_space<hbm>> -> memref<1x128x128xf32, #tpu.memory_space<hbm>>
    %dma_wait3A_304 = tpu.memref_squeeze %dma_wait3A_303 : memref<1x128x128xf32, #tpu.memory_space<hbm>> -> memref<128x128xf32, #tpu.memory_space<hbm>>
    tpu.wait_dma2 semaphore(%arg14 : memref<!tpu.dma_semaphore, #tpu.memory_space<semaphore_mem>>) src(%arg10 : memref<128x128xf32, #tpu.memory_space<vmem>>) dst(%dma_wait3A_304 : memref<128x128xf32, #tpu.memory_space<hbm>>)
    %mul3A_305 = arith.constant 640 : i32
    %mul3A_306 = arith.muli %arg1, %mul3A_305 : i32
    %add3A_307 = arith.constant 512 : i32
    %add3A_308 = arith.addi %mul3A_306, %add3A_307 : i32
    %dma_wait3A_309 = arith.constant 0 : i32
    %dma_wait3A_310 = tpu.memref_slice %arg5[%arg0, %add3A_308, %dma_wait3A_309] : memref<2x10240x128xf32, #tpu.memory_space<hbm>> -> memref<1x128x128xf32, #tpu.memory_space<hbm>>
    %dma_wait3A_311 = tpu.memref_squeeze %dma_wait3A_310 : memref<1x128x128xf32, #tpu.memory_space<hbm>> -> memref<128x128xf32, #tpu.memory_space<hbm>>
    %dma_wait3A_312 = arith.constant 0 : i32
    %dma_wait3A_313 = tpu.memref_slice %arg5[%arg0, %add3A_308, %dma_wait3A_312] : memref<2x10240x128xf32, #tpu.memory_space<hbm>> -> memref<1x128x128xf32, #tpu.memory_space<hbm>>
    %dma_wait3A_314 = tpu.memref_squeeze %dma_wait3A_313 : memref<1x128x128xf32, #tpu.memory_space<hbm>> -> memref<128x128xf32, #tpu.memory_space<hbm>>
    tpu.wait_dma2 semaphore(%arg13 : memref<!tpu.dma_semaphore, #tpu.memory_space<semaphore_mem>>) src(%arg9 : memref<128x128xf32, #tpu.memory_space<vmem>>) dst(%dma_wait3A_314 : memref<128x128xf32, #tpu.memory_space<hbm>>)
    return
  }
}

module attributes {stable_mosaic.version = 14 : i64} {
  func.func @_mm_body(%arg0: i32, %arg1: memref<5000x128xf32, #tpu.memory_space<vmem>>, %arg2: memref<128x128xf32, #tpu.memory_space<vmem>>, %arg3: memref<5000x1xf32, #tpu.memory_space<vmem>>, %arg4: memref<5000x128xf32, #tpu.memory_space<vmem>>) attributes {dimension_semantics = [#tpu.dimension_semantics<arbitrary>], iteration_bounds = array<i64: 2>, scalar_prefetch = 0 : i64, scratch_operands = 0 : i64, tpu.core_type = #tpu.core_type<tc>, window_params = [{transform_indices = @transform_0, window_bounds = array<i64: 5000, 128>}, {pipeline_mode = #tpu.pipeline_mode<synchronous>, transform_indices = @transform_1, window_bounds = array<i64: 128, 128>}, {transform_indices = @transform_2, window_bounds = array<i64: 5000, 1>}, {transform_indices = @transform_3, window_bounds = array<i64: 5000, 128>}]} {
    %get3A = arith.constant 0 : index
    %get3A_0 = arith.constant 0 : index
    %get3A_1 = vector.load %arg3[%get3A, %get3A_0] : memref<5000x1xf32, #tpu.memory_space<vmem>>, vector<5000x1xf32>
    %add3A = arith.constant 2.000000e+00 : f32
    %add3A_2 = vector.broadcast %add3A : f32 to vector<5000x1xf32>
    %add3A_3 = arith.addf %get3A_1, %add3A_2 : vector<5000x1xf32>
    %rsqrt3A = math.rsqrt %add3A_3 : vector<5000x1xf32>
    %get3A_4 = arith.constant 0 : index
    %get3A_5 = arith.constant 0 : index
    %get3A_6 = vector.load %arg1[%get3A_4, %get3A_5] : memref<5000x128xf32, #tpu.memory_space<vmem>>, vector<5000x128xf32>
    %get3A_7 = arith.constant 0 : index
    %get3A_8 = arith.constant 0 : index
    %get3A_9 = vector.load %arg2[%get3A_7, %get3A_8] : memref<128x128xf32, #tpu.memory_space<vmem>>, vector<128x128xf32>
    %dot_general3A = arith.constant dense<0.000000e+00> : vector<5000x128xf32>
    %dot_general3A_10 = tpu.matmul %get3A_6, %get3A_9, %dot_general3A {dimension_numbers = #tpu.dot_dimension_numbers<[1], [0], [0], [1], [0, 0, 1, 1], [], []>, transpose_lhs_hint = false} : vector<5000x128xf32>, vector<128x128xf32>, vector<5000x128xf32> -> vector<5000x128xf32>
    %mul3A = vector.broadcast %rsqrt3A : vector<5000x1xf32> to vector<5000x128xf32>
    %mul3A_11 = arith.mulf %dot_general3A_10, %mul3A : vector<5000x128xf32>
    %swap3A = arith.constant 0 : index
    %swap3A_12 = arith.constant 0 : index
    %swap3A_13 = vector.load %arg4[%swap3A, %swap3A_12] : memref<5000x128xf32, #tpu.memory_space<vmem>>, vector<5000x128xf32>
    tpu.vector_store %arg4[%swap3A, %swap3A_12], %mul3A_11 {strides = array<i32>} : memref<5000x128xf32, #tpu.memory_space<vmem>>, vector<5000x128xf32>,
    return
  }
  func.func @transform_0(%arg0: i32) -> (i32, i32) {
    %c0_i32 = arith.constant 0 : i32
    %c0_i32_0 = arith.constant 0 : i32
    return %arg0, %c0_i32 : i32, i32
  }
  func.func @transform_1(%arg0: i32) -> (i32, i32) {
    %c0_i32 = arith.constant 0 : i32
    %c0_i32_0 = arith.constant 0 : i32
    %c0_i32_1 = arith.constant 0 : i32
    return %c0_i32, %c0_i32_0 : i32, i32
  }
  func.func @transform_2(%arg0: i32) -> (i32, i32) {
    %c0_i32 = arith.constant 0 : i32
    %c0_i32_0 = arith.constant 0 : i32
    return %arg0, %c0_i32 : i32, i32
  }
  func.func @transform_3(%arg0: i32) -> (i32, i32) {
    %c0_i32 = arith.constant 0 : i32
    %c0_i32_0 = arith.constant 0 : i32
    return %arg0, %c0_i32 : i32, i32
  }
}

module attributes {stable_mosaic.version = 14 : i64} {
  func.func @_fin_body(%arg0: i32, %arg1: memref<2x5000x128xf32, #tpu.memory_space<vmem>>, %arg2: memref<5000x128xf32, #tpu.memory_space<vmem>>, %arg3: memref<5000x1xf32, #tpu.memory_space<vmem>>, %arg4: memref<1x128xf32, #tpu.memory_space<vmem>>, %arg5: memref<1x128xf32, #tpu.memory_space<vmem>>, %arg6: memref<1x128xf32, #tpu.memory_space<vmem>>, %arg7: memref<5000x128xf32, #tpu.memory_space<vmem>>) attributes {dimension_semantics = [#tpu.dimension_semantics<arbitrary>], iteration_bounds = array<i64: 2>, scalar_prefetch = 0 : i64, scratch_operands = 0 : i64, tpu.core_type = #tpu.core_type<tc>, window_params = [{transform_indices = @transform_0, window_bounds = array<i64: 2, 5000, 128>}, {transform_indices = @transform_1, window_bounds = array<i64: 5000, 128>}, {transform_indices = @transform_2, window_bounds = array<i64: 5000, 1>}, {pipeline_mode = #tpu.pipeline_mode<synchronous>, transform_indices = @transform_3, window_bounds = array<i64: 1, 128>}, {pipeline_mode = #tpu.pipeline_mode<synchronous>, transform_indices = @transform_4, window_bounds = array<i64: 1, 128>}, {pipeline_mode = #tpu.pipeline_mode<synchronous>, transform_indices = @transform_5, window_bounds = array<i64: 1, 128>}, {transform_indices = @transform_6, window_bounds = array<i64: 5000, 128>}]} {
    %get3A = arith.constant 0 : index
    %get3A_0 = arith.constant 0 : index
    %get3A_1 = vector.load %arg3[%get3A, %get3A_0] : memref<5000x1xf32, #tpu.memory_space<vmem>>, vector<5000x1xf32>
    %add3A = arith.constant 2.000000e+00 : f32
    %add3A_2 = vector.broadcast %add3A : f32 to vector<5000x1xf32>
    %add3A_3 = arith.addf %get3A_1, %add3A_2 : vector<5000x1xf32>
    %rsqrt3A = math.rsqrt %add3A_3 : vector<5000x1xf32>
    %get3A_4 = arith.constant 0 : index
    %get3A_5 = arith.constant 0 : index
    %get3A_6 = arith.constant 0 : index
    %get3A_7 = vector.load %arg1[%get3A_4, %get3A_5, %get3A_6] : memref<2x5000x128xf32, #tpu.memory_space<vmem>>, vector<1x5000x128xf32>
    %get3A_8 = vector.shape_cast %get3A_7 : vector<1x5000x128xf32> to vector<5000x128xf32>
    %get3A_9 = arith.constant 1 : index
    %get3A_10 = arith.constant 0 : index
    %get3A_11 = arith.constant 0 : index
    %get3A_12 = vector.load %arg1[%get3A_9, %get3A_10, %get3A_11] : memref<2x5000x128xf32, #tpu.memory_space<vmem>>, vector<1x5000x128xf32>
    %get3A_13 = vector.shape_cast %get3A_12 : vector<1x5000x128xf32> to vector<5000x128xf32>
    %add3A_14 = arith.addf %get3A_8, %get3A_13 : vector<5000x128xf32>
    %get3A_15 = arith.constant 0 : index
    %get3A_16 = arith.constant 0 : index
    %get3A_17 = vector.load %arg2[%get3A_15, %get3A_16] : memref<5000x128xf32, #tpu.memory_space<vmem>>, vector<5000x128xf32>
    %mul3A = arith.constant 2.000000e+00 : f32
    %mul3A_18 = vector.broadcast %mul3A : f32 to vector<5000x128xf32>
    %mul3A_19 = arith.mulf %mul3A_18, %get3A_17 : vector<5000x128xf32>
    %add3A_20 = arith.addf %add3A_14, %mul3A_19 : vector<5000x128xf32>
    %mul3A_21 = vector.broadcast %rsqrt3A : vector<5000x1xf32> to vector<5000x128xf32>
    %mul3A_22 = arith.mulf %mul3A_21, %add3A_20 : vector<5000x128xf32>
    %get3A_23 = arith.constant 0 : index
    %get3A_24 = arith.constant 0 : index
    %get3A_25 = vector.load %arg4[%get3A_23, %get3A_24] : memref<1x128xf32, #tpu.memory_space<vmem>>, vector<1x128xf32>
    %add3A_26 = vector.broadcast %get3A_25 : vector<1x128xf32> to vector<5000x128xf32>
    %add3A_27 = arith.addf %mul3A_22, %add3A_26 : vector<5000x128xf32>
    %reduce_sum3A = arith.constant dense<0.000000e+00> : vector<5000xf32>
    %reduce_sum3A_28 = vector.multi_reduction <add>, %add3A_27, %reduce_sum3A [1] : vector<5000x128xf32> to vector<5000xf32>
    %broadcast_in_dim3A = vector.shape_cast %reduce_sum3A_28 : vector<5000xf32> to vector<5000x1xf32>
    %div3A = arith.constant 1.280000e+02 : f32
    %div3A_29 = vector.broadcast %div3A : f32 to vector<5000x1xf32>
    %div3A_30 = arith.divf %broadcast_in_dim3A, %div3A_29 : vector<5000x1xf32>
    %sub3A = vector.broadcast %div3A_30 : vector<5000x1xf32> to vector<5000x128xf32>
    %sub3A_31 = arith.subf %add3A_27, %sub3A : vector<5000x128xf32>
    %mul3A_32 = arith.mulf %sub3A_31, %sub3A_31 : vector<5000x128xf32>
    %reduce_sum3A_33 = arith.constant dense<0.000000e+00> : vector<5000xf32>
    %reduce_sum3A_34 = vector.multi_reduction <add>, %mul3A_32, %reduce_sum3A_33 [1] : vector<5000x128xf32> to vector<5000xf32>
    %broadcast_in_dim3A_35 = vector.shape_cast %reduce_sum3A_34 : vector<5000xf32> to vector<5000x1xf32>
    %div3A_36 = arith.constant 1.280000e+02 : f32
    %div3A_37 = vector.broadcast %div3A_36 : f32 to vector<5000x1xf32>
    %div3A_38 = arith.divf %broadcast_in_dim3A_35, %div3A_37 : vector<5000x1xf32>
    %add3A_39 = arith.constant 9.99999974E-6 : f32
    %add3A_40 = vector.broadcast %add3A_39 : f32 to vector<5000x1xf32>
    %add3A_41 = arith.addf %div3A_38, %add3A_40 : vector<5000x1xf32>
    %rsqrt3A_42 = math.rsqrt %add3A_41 : vector<5000x1xf32>
    %mul3A_43 = vector.broadcast %rsqrt3A_42 : vector<5000x1xf32> to vector<5000x128xf32>
    %mul3A_44 = arith.mulf %sub3A_31, %mul3A_43 : vector<5000x128xf32>
    %get3A_45 = arith.constant 0 : index
    %get3A_46 = arith.constant 0 : index
    %get3A_47 = vector.load %arg5[%get3A_45, %get3A_46] : memref<1x128xf32, #tpu.memory_space<vmem>>, vector<1x128xf32>
    %mul3A_48 = vector.broadcast %get3A_47 : vector<1x128xf32> to vector<5000x128xf32>
    %mul3A_49 = arith.mulf %mul3A_44, %mul3A_48 : vector<5000x128xf32>
    %get3A_50 = arith.constant 0 : index
    %get3A_51 = arith.constant 0 : index
    %get3A_52 = vector.load %arg6[%get3A_50, %get3A_51] : memref<1x128xf32, #tpu.memory_space<vmem>>, vector<1x128xf32>
    %add3A_53 = vector.broadcast %get3A_52 : vector<1x128xf32> to vector<5000x128xf32>
    %add3A_54 = arith.addf %mul3A_49, %add3A_53 : vector<5000x128xf32>
    %max3A = arith.constant 0.000000e+00 : f32
    %max3A_55 = vector.broadcast %max3A : f32 to vector<5000x128xf32>
    %max3A_56 = arith.maximumf %add3A_54, %max3A_55 : vector<5000x128xf32>
    %swap3A = arith.constant 0 : index
    %swap3A_57 = arith.constant 0 : index
    %swap3A_58 = vector.load %arg7[%swap3A, %swap3A_57] : memref<5000x128xf32, #tpu.memory_space<vmem>>, vector<5000x128xf32>
    tpu.vector_store %arg7[%swap3A, %swap3A_57], %max3A_56 {strides = array<i32>} : memref<5000x128xf32, #tpu.memory_space<vmem>>, vector<5000x128xf32>,
    return
  }
  func.func @transform_0(%arg0: i32) -> (i32, i32, i32) {
    %c0_i32 = arith.constant 0 : i32
    %c0_i32_0 = arith.constant 0 : i32
    %c0_i32_1 = arith.constant 0 : i32
    return %c0_i32, %arg0, %c0_i32_0 : i32, i32, i32
  }
  func.func @transform_1(%arg0: i32) -> (i32, i32) {
    %c0_i32 = arith.constant 0 : i32
    %c0_i32_0 = arith.constant 0 : i32
    return %arg0, %c0_i32 : i32, i32
  }
  func.func @transform_2(%arg0: i32) -> (i32, i32) {
    %c0_i32 = arith.constant 0 : i32
    %c0_i32_0 = arith.constant 0 : i32
    return %arg0, %c0_i32 : i32, i32
  }
  func.func @transform_3(%arg0: i32) -> (i32, i32) {
    %c0_i32 = arith.constant 0 : i32
    %c0_i32_0 = arith.constant 0 : i32
    %c0_i32_1 = arith.constant 0 : i32
    return %c0_i32, %c0_i32_0 : i32, i32
  }
  func.func @transform_4(%arg0: i32) -> (i32, i32) {
    %c0_i32 = arith.constant 0 : i32
    %c0_i32_0 = arith.constant 0 : i32
    %c0_i32_1 = arith.constant 0 : i32
    return %c0_i32, %c0_i32_0 : i32, i32
  }
  func.func @transform_5(%arg0: i32) -> (i32, i32) {
    %c0_i32 = arith.constant 0 : i32
    %c0_i32_0 = arith.constant 0 : i32
    %c0_i32_1 = arith.constant 0 : i32
    return %c0_i32, %c0_i32_0 : i32, i32
  }
  func.func @transform_6(%arg0: i32) -> (i32, i32) {
    %c0_i32 = arith.constant 0 : i32
    %c0_i32_0 = arith.constant 0 : i32
    return %arg0, %c0_i32 : i32, i32
  }
}

</mosaic_0001>

<sc_bundles>
// kernel: kernel.6.cloned.1.call-start
scs
__scs_entry_jumppad:
0x0: {  	(pc) =	sbr.rel $0x88, $3  }
0x1: {  	(tag) =	ssettag $0x0;
	lr =	simm.s32 $0x1  }
0x2: {  	[smem:$0x3F9B] =	sst lr;
	_ =	strace $0xD0000000  }
0x3: {  	_ = 	snop  }
0x4: {  	_ = 	snop  }
0x5: {  	_ = 	snop  }
0x6: {  	_ = 	snop  }
0x7: {  	_ = 	snop  }
__scs_overlays_trampoline_lowered:
0x8: {  	[smem:$0x3FAA] =	sst s0  }
0x9: {  	[smem:$0x3FAB] =	sst s1  }
0xa: {  	[smem:$0x3FAC] =	sst s2  }
0xb: {  	[smem:$0x3FAD] =	sst s3  }
0xc: {  	[smem:$0x3FAE] =	sst s4  }
0xd: {  	[smem:$0x3FAF] =	sst s5  }
0xe: {  	[smem:$0x3FB0] =	sst s6  }
0xf: {  	[smem:$0x3FB1] =	sst s7  }
0x10: {  	[smem:$0x3FB2] =	sst s8  }
0x11: {  	[smem:$0x3FB3] =	sst s9;
	s0 =	simm.s32 @!p0 $0x0  }
0x12: {  	s1 =	sld [smem:$0x3F99];
	s0 =	simm.s32 @p0 $0x1  }
0x13: {  	[smem:$0x3FB4] =	sst s0;
	s0 =	simm.s32 @!p1 $0x0  }
0x14: {  	s2 =	sld [smem:$0x3F98];
	s0 =	simm.s32 @p1 $0x1  }
0x15: {  	[smem:$0x3FB5] =	sst s0;
	s0 =	simm.s32 @!p2 $0x0  }
0x16: {  	s3 =	sld [smem:$0x3FDB];
	s0 =	simm.s32 @p2 $0x1  }
0x17: {  	s4 =	simm.s32 $0x1BF5;
	[smem:$0x3FB7] =	sst s0  }
0x18: {  	s0 =	sld [smem:$0x3F9A];
	_ =	swait.ge [sflag:s4], $0x0  }
0x19: {  	s7 =	sld [smem:$0x3F9B]  }
0x1a: {  	s8 =	sadd.s32 $0xFFFFE003, lr  }
0x1b: {  	s9 =	sadd.s32 $0xFFFFFEF7, lr;
	s5 =	simm.s32 $0xFFFFFFFF;
	p2 =	slt.u32 s8, $0xFFFFF086  }
0x1c: {  	p1 =	slt.u32 s9, $0xF7A;
	s5 =	simm.s32 @!p2 $0x0  }
0x1d: {  	s5 =	simm.s32 @p1 $0x1;
	p0 =	seq.s32 s7, s2  }
0x1e: {  	s7 =	smul.u32 @!p0 $0xF7A, s2;
	p2 =	seq.s32 @!p0 s5, $0x0  }
0x1f: {  	s9 =	smul.u32 $0xF7A, s1;
	s8 =	simm.s32 @!p0 $0x1BF5;
	p2 =	por !p2, p0  }
0x20: {  	[sflag:s8] =	ssyncset.s32 @!p0 $0xFFFFF086;
	s6 =	sadd.s32 @!p0 s3, s7;
	s7 =	simm.s32 @!p0 $0x108  }
0x21: {  	s3 =	sadd.s32 s3, s9;
	s6 =	sadd.s32 @!p0 $0x88, s6;
	s7 =	simm.s32 @p2 $0x1082  }
0x22: {  	[simem:s7], [sflag:s8] =	dma.local @!p0 [hbm:s6], $0xF7A  }
0x23: {  	s9 =	sor.u32 $0xD0000000, s2;
	s6 =	simm.s32 $0x108;
	_ =	swait.ge @!p0 [sflag:s8], $0x0  }
0x24: {  	s3 =	sadd.s32 $0x88, s3;
	s6 =	simm.s32 @!p1 $0x1082;
	[sflag:s4] =	ssyncset.s32 $0xFFFFF086  }
0x25: {  	[simem:s6], [sflag:s4] =	dma.local [hbm:s3], $0xF7A  }
0x26: {  	[smem:$0x3F9B] =	sst s1;
	(tag) =	ssettag s2;
	_ =	strace s9  }
0x27: {  	s1 =	sld [smem:$0x3FAB]  }
0x28: {  	s2 =	sld [smem:$0x3FAC]  }
0x29: {  	s4 =	sld [smem:$0x3FAE]  }
0x2a: {  	p0 =	seq.s32 s5, $0x0;
	s5 =	sld [smem:$0x3FAF]  }
0x2b: {  	s6 =	sld [smem:$0x3FB0]  }
0x2c: {  	s7 =	sld [smem:$0x3FB1]  }
0x2d: {  	s3 =	simm.s32 $0x108;
	s8 =	sld [smem:$0x3FB2]  }
0x2e: {  	s3 =	simm.s32 @!p0 $0x1082;
	s9 =	sld [smem:$0x3FB3]  }
0x2f: {  	lr =	sadd.s32 s0, s3;
	s0 =	sld [smem:$0x3FAA]  }
0x30: {  	s3 =	sld [smem:$0x3FAD]  }
0x31: {  	[smem:$0x3FB6] =	sst s10  }
0x32: {  	s10 =	sld [smem:$0x3FB4];
	_ =	sdelay $0x3  }
0x33: {  	p0 =	seq.s32 s10, $0x1;
	s10 =	sld [smem:$0x3FB6];
	_ =	sdelay $0x3  }
0x34: {  	[smem:$0x3FB6] =	sst s10  }
0x35: {  	s10 =	sld [smem:$0x3FB5];
	_ =	sdelay $0x3  }
0x36: {  	p1 =	seq.s32 s10, $0x1;
	s10 =	sld [smem:$0x3FB6];
	_ =	sdelay $0x3  }
0x37: {  	[smem:$0x3FB6] =	sst s10  }
0x38: {  	s10 =	sld [smem:$0x3FB7]  }
0x39: {  	_ = 	snop;
	(pc) =	sbr.ind lr, $3  }
0x3a: {  	_ = 	snop  }
0x3b: {  	_ = 	snop  }
0x3c: {  	p2 =	seq.s32 s10, $0x1;
	s10 =	sld [smem:$0x3FB6]  }
0x3d: {  	_ =	shalt  }
0x3e: {  	_ =	shalt  }
0x3f: {  	_ =	shalt  }
0x40: {  	_ =	shalt  }
0x41: {  	_ =	shalt  }
0x42: {  	_ =	shalt  }
0x43: {  	_ =	shalt  }
0x44: {  	_ =	shalt  }
0x45: {  	_ =	shalt  }
0x46: {  	_ =	shalt  }
0x47: {  	_ =	shalt  }
0x48: {  	_ =	shalt  }
0x49: {  	_ =	shalt  }
0x4a: {  	_ =	shalt  }
0x4b: {  	_ =	shalt  }
0x4c: {  	_ =	shalt  }
0x4d: {  	_ =	shalt  }
0x4e: {  	_ =	shalt  }
0x4f: {  	_ =	shalt  }
0x50: {  	_ =	shalt  }
0x51: {  	_ =	shalt  }
0x52: {  	_ =	shalt  }
0x53: {  	_ =	shalt  }
0x54: {  	_ =	shalt  }
0x55: {  	_ =	shalt  }
0x56: {  	_ =	shalt  }
0x57: {  	_ =	shalt  }
0x58: {  	_ =	shalt  }
0x59: {  	_ =	shalt  }
0x5a: {  	_ =	shalt  }
0x5b: {  	_ =	shalt  }
0x5c: {  	_ =	shalt  }
0x5d: {  	_ =	shalt  }
0x5e: {  	_ =	shalt  }
0x5f: {  	_ =	shalt  }
0x60: {  	_ =	shalt  }
0x61: {  	_ =	shalt  }
0x62: {  	_ =	shalt  }
0x63: {  	_ =	shalt  }
0x64: {  	_ =	shalt  }
0x65: {  	_ =	shalt  }
0x66: {  	_ =	shalt  }
0x67: {  	_ =	shalt  }
0x68: {  	_ =	shalt  }
0x69: {  	_ =	shalt  }
0x6a: {  	_ =	shalt  }
0x6b: {  	_ =	shalt  }
0x6c: {  	_ =	shalt  }
0x6d: {  	_ =	shalt  }
0x6e: {  	_ =	shalt  }
0x6f: {  	_ =	shalt  }
0x70: {  	_ =	shalt  }
0x71: {  	_ =	shalt  }
0x72: {  	_ =	shalt  }
0x73: {  	_ =	shalt  }
0x74: {  	_ =	shalt  }
0x75: {  	_ =	shalt  }
0x76: {  	_ =	shalt  }
0x77: {  	_ =	shalt  }
0x78: {  	_ =	shalt  }
0x79: {  	_ =	shalt  }
0x7a: {  	_ =	shalt  }
0x7b: {  	_ =	shalt  }
0x7c: {  	_ =	shalt  }
0x7d: {  	_ =	shalt  }
0x7e: {  	_ =	shalt  }
0x7f: {  	_ =	shalt  }
0x80: {  	_ =	shalt  }
0x81: {  	_ =	shalt  }
0x82: {  	_ =	shalt  }
0x83: {  	_ =	shalt  }
0x84: {  	_ =	shalt  }
0x85: {  	_ =	shalt  }
0x86: {  	_ =	shalt  }
0x87: {  	_ =	shalt  }
.Lfunc_end0:
.L_simem_size_0:
called_computation_lowered:
.L_overlay_start_0:
0x88: {  	s2 =	sld [smem:$0x3FD9]  }
0x89: {  	s3 =	sld [smem:$0x3FFE];
	_ =	sdelay $0x1  }
0x8a: {  	s1 =	srdreg.scid  }
0x8b: {  	s0 =	sand.u32 $0x1, s1  }
0x8c: {  	s17 =	sshll.u32 s0, $0xA;
	s2 =	sadd.s32 s3, s2  }
0x8d: {  	s2 =	sadd.s32 s2, s17  }
0x8e: {  	[smem:$0x3FC2] =	sst s2  }
0x8f: {  	_ = 	snop  }
0x90: {  	s2 =	sld [smem:$0x3FD0];
	(tm) =	ssettm $0x1  }
0x91: {  	s18 =	sld [smem:$0x3FFB];
	_ =	sdelay $0x3  }
0x92: {  	_ =	strace s18  }
0x93: {  	s3 =	sld [smem:$0x3FFC];
	_ =	sdelay $0x3  }
0x94: {  	_ =	strace s3  }
0x95: {  	s3 =	sld [smem:$0x3FFD];
	_ =	sdelay $0x3  }
0x96: {  	_ =	strace s3  }
0x97: {  	_ =	strace $0x8FFFFFFF  }
0x98: {  	s19 =	sld [smem:$0x3FDB];
	_ =	sdelay $0x1  }
0x99: {  	s4 =	simm.s32 $_scs_section_size  }
0x9a: {  	s5 =	simm.s32 $_size__tile_overlayer_lowered;
	s6 =	simm.s32 $_tile_overlayer_lowered  }
0x9b: {  	s22 =	simm.s32 $0x1BFF;
	s21 =	sshll.u32 s6, $0x1;
	s3 =	sadd.s32 s4, s19  }
0x9c: {  	s7 =	simm.s32 $0x0;
	s20 =	sshll.u32 s5, $0x1;
	s5 =	sadd.s32 s21, s3  }
0x9d: {  	[timem:s7], [sflag:s22] =	dma.local [hbm:s5], s20  }
0x9e: {  	_ =	swait.ge [sflag:s22], s20  }
0x9f: {  	s4 =	ssub.s32 $0x0, s20;
	[sflag:s22] =	ssyncset.done $0x0  }
0xa0: {  	[sflag:s22] =	ssyncadd.s32 s4;
	_ =	sdelay $0x1  }
0xa1: {  	s23 =	simm.s32 $0x1B8B  }
0xa2: {  	_ =	swait.ge [sflag:s23], $0x1  }
0xa3: {  	[sflag:s23] =	ssyncset.done $0x0  }
0xa4: {  	s25 =	simm.s32 $0x1B8E;
	s24 =	sld [smem:$0x3FFE];
	[sflag:s23] =	ssyncadd.s32 $0xFFFFFFFF  }
0xa5: {  	s26 =	simm.s32 $execute0_lowered;
	[smem:$0x3FD2] =	sst s25  }
0xa6: {  	s5 =	sshll.u32 s26, $0x1;
	_ =	strace $0x80000046;
	[dreg:$0x1] =	wrdreg $0xFFFFFFFF  }
0xa7: {  	s28 =	simm.s32 $_size_execute0_lowered;
	s3 =	sadd.s32 s3, s5;
	[dreg:$0x0] =	wrdreg $0x0  }
0xa8: {  	s5 =	sshll.u32 s28, $0x1;
	[dreg:$0x2] =	wrdreg s3  }
0xa9: {  	[dreg:$0x3] =	wrdreg s5  }
0xaa: {  	[dreg:$0x4] =	wrdreg $0xC0  }
0xab: {  	_ =	task [dreg:s7], $0x5FFFF  }
0xac: {  	[dreg:$0x1] =	wrdreg $0xFFFFFFFF  }
0xad: {  	[dreg:$0x0] =	wrdreg $0x60  }
0xae: {  	[dreg:$0x2] =	wrdreg s24  }
0xaf: {  	[dreg:$0x3] =	wrdreg s2  }
0xb0: {  	[dreg:$0x4] =	wrdreg $0x0  }
0xb1: {  	[dreg:$0x5] =	wrdreg $0x9  }
0xb2: {  	_ =	task.clear_ibuf [dreg:s7], $0x6FFFF;
	_ =	strace $0x90000046  }
0xb3: {  	s29 =	simm.s32 $0x9;
	_ =	strace $0x80000048  }
0xb4: {  	_ =	swait.ge [sflag:s29], $0x1  }
0xb5: {  	[sflag:s29] =	ssyncadd.s32 $0xFFFFFFFF  }
0xb6: {  	_ =	strace $0x90000048  }
0xb7: {  	_ =	sfence  }
0xb8: {  	s30 =	sld [smem:$0x0];
	_ =	sdelay $0x2  }
0xb9: {  	s31 =	sshll.u32 s1, $0xD;
	s1 =	sshrl.u32 s1, $0x2  }
0xba: {  	s3 =	sand.u32 $0x4000, s31;
	s1 =	sadd.s32 s1, s30  }
0xbb: {  	s0 =	sor.u32 s3, s0;
	s1 =	sshll.u32 s1, $0x11  }
0xbc: {  	s0 =	sor.u32 s1, s0  }
0xbd: {  	s0 =	sadd.s32 $0x8F2B, s0  }
0xbe: {  	[sflag:s0] =	ssyncadd.remote.s32 $0x1  }
0xbf: {  	_ =	sfence.sel $0xFFFF  }
0xc0: {  	[dreg:$0x0] =	wrdreg $0xFFFFFFFF;
	(pc) =	sbr.abs _section_cstart, $3  }
0xc1: {  	[dreg:$0x1] =	wrdreg $0xFFFFFFFF  }
0xc2: {  	_ =	task.clear_ibuf [dreg:s7], $0x2FFFF;
	_ =	strace $0x9FFFFFFF  }
0xc3: {  	(tm) =	ssettm $0x7FFFFFFF  }
tec
execute0_lowered:
.L_overlay_start_1:
0x0: {  	(tag) =	ssettag $0x1  }
0x1: {  	s4 =	rddreg [dreg:$0x0]  }
0x2: {  	s0 =	srdreg.scid;
	s6 =	rddreg [dreg:$0x1]  }
0x3: {  	s2 =	rddreg [dreg:$0x2];
	s1 =	stileid.u32  }
0x4: {  	s3 =	simm.s32 $0x0;
	s11 =	simm.s32 $0x1;
	s12 =	simm.s32 $0x80  }
0x5: {  	s13 =	simm.s32 $0x2A80;
	s14 =	simm.s32 $0x100;
	s15 =	simm.s32 $0x0  }
0x6: {  	s5 =	sand.u32 $0x1, s0;
	s0 =	rddreg [dreg:$0x3];
	s8 =	smul.u32 $0x500, s1  }
0x7: {  	[smem:$0x7FF] =	sst s3;
	s10 =	smul.u32 $0xA00, s1;
	s7 =	sshll.u32 s5, $0x4  }
0x8: {  	_ =	strace $0x80000047;
	s9 =	ssub.s32 $0x2, s5;
	s5 =	sshll.u32 s5, $0x7  }
0x9: {  	s7 =	sor.u32 s1, s7;
	s29 =	sshrl.u32 s9, $0x1;
	s5 =	sor.u32 s5, s8  }
0xa: {  	s30 =	sshrl.u32 s10, $0x2;
	s8 =	simm.s32 $0x280;
	s7 =	smul.u32 $0x500, s7  }
0xb: {  	s10 =	simm.s32 $0x2;
	s31 =	sshrl.u32 s5, $0x3;
	s5 =	sadd.s32 s30, s2  }
0xc: {  	s6 =	sadd.s32 s6, s31;
	s4 =	sadd.s32 s7, s4;
	s7 =	ssub.s32 s9, s29  }
0xd: {  	v0 =	vimm.f32 $1.000000000e+00;
	v1 =	vimm.f32 $0.0e+00;
	s9 =	simm.s32 $0x2B00;
	s4 =	sadd.s32 $0xCA00, s4;
	s7 =	smax.u32 s7, $0x1  }
.LBB2_1:
0xe: {  	[tilespmem:s8], [sflag:$0x1] =	stream.linear.gather [hbm4b:s4+s3], $0x2800, $0x38;
	[tilespmem:$0x2D80] =	vst v63  }
0xf: {  	[tilespmem:$0x2A80] =	vst v0  }
0x10: {  	[tilespmem:$0x2A90] =	vst v0  }
0x11: {  	[tilespmem:$0x2AA0] =	vst v0  }
0x12: {  	[tilespmem:$0x2AB0] =	vst v0  }
0x13: {  	[tilespmem:$0x2AC0] =	vst v0  }
0x14: {  	[tilespmem:$0x2AD0] =	vst v0  }
0x15: {  	[tilespmem:$0x2AE0] =	vst v0  }
0x16: {  	[tilespmem:$0x2AF0] =	vst v0  }
0x17: {  	[tilespmem:$0x2B00] =	vst v1  }
0x18: {  	[tilespmem:$0x2B10] =	vst v1  }
0x19: {  	[tilespmem:$0x2B20] =	vst v1  }
0x1a: {  	[tilespmem:$0x2B30] =	vst v1  }
0x1b: {  	[tilespmem:$0x2B40] =	vst v1  }
0x1c: {  	[tilespmem:$0x2B50] =	vst v1  }
0x1d: {  	[tilespmem:$0x2B60] =	vst v1  }
0x1e: {  	[tilespmem:$0x2B70] =	vst v1  }
0x1f: {  	[tilespmem:$0x2B80] =	vst v1  }
0x20: {  	[tilespmem:$0x2B90] =	vst v1  }
0x21: {  	[tilespmem:$0x2BA0] =	vst v1  }
0x22: {  	[tilespmem:$0x2BB0] =	vst v1  }
0x23: {  	[tilespmem:$0x2BC0] =	vst v1  }
0x24: {  	[tilespmem:$0x2BD0] =	vst v1  }
0x25: {  	[tilespmem:$0x2BE0] =	vst v1  }
0x26: {  	[tilespmem:$0x2BF0] =	vst v1  }
0x27: {  	[tilespmem:$0x2C00] =	vst v1  }
0x28: {  	[tilespmem:$0x2C10] =	vst v1  }
0x29: {  	[tilespmem:$0x2C20] =	vst v1  }
0x2a: {  	[tilespmem:$0x2C30] =	vst v1  }
0x2b: {  	[tilespmem:$0x2C40] =	vst v1  }
0x2c: {  	[tilespmem:$0x2C50] =	vst v1  }
0x2d: {  	[tilespmem:$0x2C60] =	vst v1  }
0x2e: {  	[tilespmem:$0x2C70] =	vst v1  }
0x2f: {  	[tilespmem:$0x2C80] =	vst v1  }
0x30: {  	[tilespmem:$0x2C90] =	vst v1  }
0x31: {  	[tilespmem:$0x2CA0] =	vst v1  }
0x32: {  	[tilespmem:$0x2CB0] =	vst v1  }
0x33: {  	[tilespmem:$0x2CC0] =	vst v1  }
0x34: {  	[tilespmem:$0x2CD0] =	vst v1  }
0x35: {  	[tilespmem:$0x2CE0] =	vst v1  }
0x36: {  	[tilespmem:$0x2CF0] =	vst v1  }
0x37: {  	[tilespmem:$0x2D00] =	vst v1  }
0x38: {  	[tilespmem:$0x2D10] =	vst v1  }
0x39: {  	[tilespmem:$0x2D20] =	vst v1  }
0x3a: {  	[tilespmem:$0x2D30] =	vst v1  }
0x3b: {  	[tilespmem:$0x2D40] =	vst v1  }
0x3c: {  	[tilespmem:$0x2D50] =	vst v1  }
0x3d: {  	[tilespmem:$0x2D60] =	vst v1  }
0x3e: {  	[tilespmem:$0x2D70] =	vst v1  }
0x3f: {  	[spmem:s5] =	stream.linear.scatter [tilespmem:s9], [sflag:$0x2], $0x280, $0x38;
	[tilespmem:$0x2D80] =	vst v63  }
0x40: {  	_ =	swait.ge [sflag:s10], $0x280  }
0x41: {  	[sflag:s10] =	ssyncset.done $0x0  }
0x42: {  	[sflag:s10] =	ssyncadd.s32 $0xFFFFFD80  }
0x43: {  	[bflag:$0x0] =	sbarrier.arrive $0xFFFF  }
0x44: {  	_ =	swait.ge [sflag:s11], $0x2800  }
0x45: {  	[sflag:s11] =	ssyncset.done $0x0  }
0x46: {  	s16 =	simm.s32 $0x0;
	[sflag:s11] =	ssyncadd.s32 $0xFFFFD800  }
.LBB2_2:
0x47: {  	p0 =	sne.s32 s16, $0x9E00  }
.Ltmp0:
0x48: {  	_ = 	snop;
	(pc) =	sbr.rel @p0 .LBB2_2-.Ltmp0, $4  }
0x49: {  	_ = 	snop  }
0x4a: {  	s17 =	sshra.s32 s16, $0x2  }
0x4b: {  	s16 =	sadd.s32 $0x200, s16;
	s17 =	sadd.s32 $0x280, s17  }
0x4c: {  	[spmem:s2] =	stream.indirect.scatter.add.f32 [tilespmem:s13], [sflag:$0x1], $0x1, s17, s12, $0xb8;
	[tilespmem:$0x2D80] =	vst v63  }
0x4d: {  	_ =	swait.ge [sflag:s11], $0x80  }
0x4e: {  	s16 =	simm.s32 $0x4F;
	[sflag:s11] =	ssyncset.done $0x0  }
.LBB2_4:
0x4f: {  	p0 =	sne.s32 s16, $0x1;
	s16 =	sadd.s32 $0xFFFFFFFF, s16;
	[sflag:s11] =	ssyncadd.s32 $0xFFFFFF80  }
.Ltmp1:
0x50: {  	(pc) =	sbr.rel @p0 .LBB2_4-.Ltmp1, $3  }
0x51: {  	_ =	sdelay $0x1  }
0x52: {  	_ =	swait.ge [sflag:s11], $0x80  }
0x53: {  	[sflag:s11] =	ssyncset.done $0x0  }
0x54: {  	[sflag:s11] =	ssyncadd.s32 $0xFFFFFF80  }
0x55: {  	[bflag:$0x0] =	sbarrier.arrive $0xFFFF  }
0x56: {  	[tilespmem:s9], [sflag:$0x2] =	stream.linear.gather [spmem:s5], $0x280, $0x38;
	[tilespmem:$0x2D80] =	vst v63  }
0x57: {  	s15 =	sadd.s32 $0x1, s15;
	_ =	swait.ge [sflag:s10], $0x280  }
0x58: {  	p0 =	sne.s32 s15, s7;
	[sflag:s10] =	ssyncset.done $0x0  }
.Ltmp2:
0x59: {  	[sflag:s10] =	ssyncadd.s32 $0xFFFFFD80;
	(pc) =	sbr.rel @p0 .LBB2_1-.Ltmp2, $4  }
0x5a: {  	[hbm4b:s6+s12] =	stream.strided.scatter [tilespmem:s9], [sflag:$0x2], $0x280, s14, s12, $0x38;
	[tilespmem:$0x2D80] =	vst v63  }
0x5b: {  	_ =	swait.ge [sflag:s10], $0x280  }
0x5c: {  	[sflag:s10] =	ssyncset.done $0x0  }
0x5d: {  	[sflag:s10] =	ssyncadd.s32 $0xFFFFFD80  }
0x5e: {  	_ =	sfence.sel $0x180000  }
0x5f: {  	[bflag:$0x0] =	sbarrier.arrive $0xFFFF  }
0x60: {  	p0 =	sne.s32 s1, $0x0;
	_ =	strace $0x90000047  }
0x61: {  	s0 =	sadd.s32 @!p0 $0x100000, s0;
	[bflag:$0x2] =	sbarrier.arrive $0xFFFF  }
0x62: {  	[sflag:s0] =	ssyncadd.tile.s32 @!p0 $0x1;
	_ =	shalt  }
.Lfunc_end2:
_tile_overlayer_lowered:
.L_overlay_start_2:
0x63: {  	(tag) =	ssettag $0x2  }
0x64: {  	s0 =	rddreg [dreg:$0x0];
	s2 =	stileid.u32  }
0x65: {  	s1 =	rddreg [dreg:$0x1];
	p0 =	sne.s32 s2, $0x0  }
0x66: {  	s3 =	rddreg [dreg:$0x2];
	[bflag:$0x3] =	sbarrier.arrive $0xFFFF;
	s2 =	simm.s32 @!p0 $0x1C02  }
0x67: {  	[timem:s3], [sflag:s2] =	dma.local @!p0 [hbm:s0], s1  }
0x68: {  	s0 =	simm.s32 @!p0 $0x2  }
0x69: {  	_ =	swait.ge @!p0 [sflag:s0], s1  }
0x6a: {  	s1 =	ssub.s32 @!p0 $0x0, s1;
	[sflag:s0] =	ssyncset.done @!p0 $0x0  }
0x6b: {  	[sflag:s0] =	ssyncadd.s32 @!p0 s1  }
0x6c: {  	[bflag:$0x3] =	sbarrier.arrive $0xFFFF  }
0x6d: {  	_ =	shalt  }

// kernel: kernel.9.cloned.1.call-start
scs
__scs_entry_jumppad:
0x0: {  	(pc) =	sbr.rel $0x88, $3  }
0x1: {  	(tag) =	ssettag $0x0;
	lr =	simm.s32 $0x1  }
0x2: {  	[smem:$0x3F9B] =	sst lr;
	_ =	strace $0xD0000000  }
0x3: {  	_ = 	snop  }
0x4: {  	_ = 	snop  }
0x5: {  	_ = 	snop  }
0x6: {  	_ = 	snop  }
0x7: {  	_ = 	snop  }
__scs_overlays_trampoline_lowered:
0x8: {  	[smem:$0x3FAA] =	sst s0  }
0x9: {  	[smem:$0x3FAB] =	sst s1  }
0xa: {  	[smem:$0x3FAC] =	sst s2  }
0xb: {  	[smem:$0x3FAD] =	sst s3  }
0xc: {  	[smem:$0x3FAE] =	sst s4  }
0xd: {  	[smem:$0x3FAF] =	sst s5  }
0xe: {  	[smem:$0x3FB0] =	sst s6  }
0xf: {  	[smem:$0x3FB1] =	sst s7  }
0x10: {  	[smem:$0x3FB2] =	sst s8  }
0x11: {  	[smem:$0x3FB3] =	sst s9;
	s0 =	simm.s32 @!p0 $0x0  }
0x12: {  	s1 =	sld [smem:$0x3F99];
	s0 =	simm.s32 @p0 $0x1  }
0x13: {  	[smem:$0x3FB4] =	sst s0;
	s0 =	simm.s32 @!p1 $0x0  }
0x14: {  	s2 =	sld [smem:$0x3F98];
	s0 =	simm.s32 @p1 $0x1  }
0x15: {  	[smem:$0x3FB5] =	sst s0;
	s0 =	simm.s32 @!p2 $0x0  }
0x16: {  	s3 =	sld [smem:$0x3FDB];
	s0 =	simm.s32 @p2 $0x1  }
0x17: {  	s4 =	simm.s32 $0x1BF5;
	[smem:$0x3FB7] =	sst s0  }
0x18: {  	s0 =	sld [smem:$0x3F9A];
	_ =	swait.ge [sflag:s4], $0x0  }
0x19: {  	s7 =	sld [smem:$0x3F9B]  }
0x1a: {  	s8 =	sadd.s32 $0xFFFFE003, lr  }
0x1b: {  	s9 =	sadd.s32 $0xFFFFFEF7, lr;
	s5 =	simm.s32 $0xFFFFFFFF;
	p2 =	slt.u32 s8, $0xFFFFF086  }
0x1c: {  	p1 =	slt.u32 s9, $0xF7A;
	s5 =	simm.s32 @!p2 $0x0  }
0x1d: {  	s5 =	simm.s32 @p1 $0x1;
	p0 =	seq.s32 s7, s2  }
0x1e: {  	s7 =	smul.u32 @!p0 $0xF7A, s2;
	p2 =	seq.s32 @!p0 s5, $0x0  }
0x1f: {  	s9 =	smul.u32 $0xF7A, s1;
	s8 =	simm.s32 @!p0 $0x1BF5;
	p2 =	por !p2, p0  }
0x20: {  	[sflag:s8] =	ssyncset.s32 @!p0 $0xFFFFF086;
	s6 =	sadd.s32 @!p0 s3, s7;
	s7 =	simm.s32 @!p0 $0x108  }
0x21: {  	s3 =	sadd.s32 s3, s9;
	s6 =	sadd.s32 @!p0 $0x88, s6;
	s7 =	simm.s32 @p2 $0x1082  }
0x22: {  	[simem:s7], [sflag:s8] =	dma.local @!p0 [hbm:s6], $0xF7A  }
0x23: {  	s9 =	sor.u32 $0xD0000000, s2;
	s6 =	simm.s32 $0x108;
	_ =	swait.ge @!p0 [sflag:s8], $0x0  }
0x24: {  	s3 =	sadd.s32 $0x88, s3;
	s6 =	simm.s32 @!p1 $0x1082;
	[sflag:s4] =	ssyncset.s32 $0xFFFFF086  }
0x25: {  	[simem:s6], [sflag:s4] =	dma.local [hbm:s3], $0xF7A  }
0x26: {  	[smem:$0x3F9B] =	sst s1;
	(tag) =	ssettag s2;
	_ =	strace s9  }
0x27: {  	s1 =	sld [smem:$0x3FAB]  }
0x28: {  	s2 =	sld [smem:$0x3FAC]  }
0x29: {  	s4 =	sld [smem:$0x3FAE]  }
0x2a: {  	p0 =	seq.s32 s5, $0x0;
	s5 =	sld [smem:$0x3FAF]  }
0x2b: {  	s6 =	sld [smem:$0x3FB0]  }
0x2c: {  	s7 =	sld [smem:$0x3FB1]  }
0x2d: {  	s3 =	simm.s32 $0x108;
	s8 =	sld [smem:$0x3FB2]  }
0x2e: {  	s3 =	simm.s32 @!p0 $0x1082;
	s9 =	sld [smem:$0x3FB3]  }
0x2f: {  	lr =	sadd.s32 s0, s3;
	s0 =	sld [smem:$0x3FAA]  }
0x30: {  	s3 =	sld [smem:$0x3FAD]  }
0x31: {  	[smem:$0x3FB6] =	sst s10  }
0x32: {  	s10 =	sld [smem:$0x3FB4];
	_ =	sdelay $0x3  }
0x33: {  	p0 =	seq.s32 s10, $0x1;
	s10 =	sld [smem:$0x3FB6];
	_ =	sdelay $0x3  }
0x34: {  	[smem:$0x3FB6] =	sst s10  }
0x35: {  	s10 =	sld [smem:$0x3FB5];
	_ =	sdelay $0x3  }
0x36: {  	p1 =	seq.s32 s10, $0x1;
	s10 =	sld [smem:$0x3FB6];
	_ =	sdelay $0x3  }
0x37: {  	[smem:$0x3FB6] =	sst s10  }
0x38: {  	s10 =	sld [smem:$0x3FB7]  }
0x39: {  	_ = 	snop;
	(pc) =	sbr.ind lr, $3  }
0x3a: {  	_ = 	snop  }
0x3b: {  	_ = 	snop  }
0x3c: {  	p2 =	seq.s32 s10, $0x1;
	s10 =	sld [smem:$0x3FB6]  }
0x3d: {  	_ =	shalt  }
0x3e: {  	_ =	shalt  }
0x3f: {  	_ =	shalt  }
0x40: {  	_ =	shalt  }
0x41: {  	_ =	shalt  }
0x42: {  	_ =	shalt  }
0x43: {  	_ =	shalt  }
0x44: {  	_ =	shalt  }
0x45: {  	_ =	shalt  }
0x46: {  	_ =	shalt  }
0x47: {  	_ =	shalt  }
0x48: {  	_ =	shalt  }
0x49: {  	_ =	shalt  }
0x4a: {  	_ =	shalt  }
0x4b: {  	_ =	shalt  }
0x4c: {  	_ =	shalt  }
0x4d: {  	_ =	shalt  }
0x4e: {  	_ =	shalt  }
0x4f: {  	_ =	shalt  }
0x50: {  	_ =	shalt  }
0x51: {  	_ =	shalt  }
0x52: {  	_ =	shalt  }
0x53: {  	_ =	shalt  }
0x54: {  	_ =	shalt  }
0x55: {  	_ =	shalt  }
0x56: {  	_ =	shalt  }
0x57: {  	_ =	shalt  }
0x58: {  	_ =	shalt  }
0x59: {  	_ =	shalt  }
0x5a: {  	_ =	shalt  }
0x5b: {  	_ =	shalt  }
0x5c: {  	_ =	shalt  }
0x5d: {  	_ =	shalt  }
0x5e: {  	_ =	shalt  }
0x5f: {  	_ =	shalt  }
0x60: {  	_ =	shalt  }
0x61: {  	_ =	shalt  }
0x62: {  	_ =	shalt  }
0x63: {  	_ =	shalt  }
0x64: {  	_ =	shalt  }
0x65: {  	_ =	shalt  }
0x66: {  	_ =	shalt  }
0x67: {  	_ =	shalt  }
0x68: {  	_ =	shalt  }
0x69: {  	_ =	shalt  }
0x6a: {  	_ =	shalt  }
0x6b: {  	_ =	shalt  }
0x6c: {  	_ =	shalt  }
0x6d: {  	_ =	shalt  }
0x6e: {  	_ =	shalt  }
0x6f: {  	_ =	shalt  }
0x70: {  	_ =	shalt  }
0x71: {  	_ =	shalt  }
0x72: {  	_ =	shalt  }
0x73: {  	_ =	shalt  }
0x74: {  	_ =	shalt  }
0x75: {  	_ =	shalt  }
0x76: {  	_ =	shalt  }
0x77: {  	_ =	shalt  }
0x78: {  	_ =	shalt  }
0x79: {  	_ =	shalt  }
0x7a: {  	_ =	shalt  }
0x7b: {  	_ =	shalt  }
0x7c: {  	_ =	shalt  }
0x7d: {  	_ =	shalt  }
0x7e: {  	_ =	shalt  }
0x7f: {  	_ =	shalt  }
0x80: {  	_ =	shalt  }
0x81: {  	_ =	shalt  }
0x82: {  	_ =	shalt  }
0x83: {  	_ =	shalt  }
0x84: {  	_ =	shalt  }
0x85: {  	_ =	shalt  }
0x86: {  	_ =	shalt  }
0x87: {  	_ =	shalt  }
.Lfunc_end0:
.L_simem_size_0:
called_computation.1_lowered:
.L_overlay_start_0:
0x88: {  	s2 =	sld [smem:$0x3FD9]  }
0x89: {  	s3 =	sld [smem:$0x3FFE];
	_ =	sdelay $0x1  }
0x8a: {  	s1 =	srdreg.scid  }
0x8b: {  	s0 =	sand.u32 $0x1, s1  }
0x8c: {  	s17 =	sshll.u32 s0, $0xA;
	s2 =	sadd.s32 s3, s2  }
0x8d: {  	s2 =	sadd.s32 s2, s17  }
0x8e: {  	[smem:$0x3FC2] =	sst s2  }
0x8f: {  	_ = 	snop  }
0x90: {  	s2 =	sld [smem:$0x3FD0];
	(tm) =	ssettm $0x1  }
0x91: {  	s18 =	sld [smem:$0x3FFB];
	_ =	sdelay $0x3  }
0x92: {  	_ =	strace s18  }
0x93: {  	s3 =	sld [smem:$0x3FFC];
	_ =	sdelay $0x3  }
0x94: {  	_ =	strace s3  }
0x95: {  	s3 =	sld [smem:$0x3FFD];
	_ =	sdelay $0x3  }
0x96: {  	_ =	strace s3  }
0x97: {  	_ =	strace $0x8FFFFFFF  }
0x98: {  	s19 =	sld [smem:$0x3FDB];
	_ =	sdelay $0x1  }
0x99: {  	s4 =	simm.s32 $_scs_section_size  }
0x9a: {  	s5 =	simm.s32 $_size__tile_overlayer_lowered;
	s6 =	simm.s32 $_tile_overlayer_lowered  }
0x9b: {  	s22 =	simm.s32 $0x1BFF;
	s21 =	sshll.u32 s6, $0x1;
	s3 =	sadd.s32 s4, s19  }
0x9c: {  	s7 =	simm.s32 $0x0;
	s20 =	sshll.u32 s5, $0x1;
	s5 =	sadd.s32 s21, s3  }
0x9d: {  	[timem:s7], [sflag:s22] =	dma.local [hbm:s5], s20  }
0x9e: {  	_ =	swait.ge [sflag:s22], s20  }
0x9f: {  	s4 =	ssub.s32 $0x0, s20;
	[sflag:s22] =	ssyncset.done $0x0  }
0xa0: {  	[sflag:s22] =	ssyncadd.s32 s4;
	_ =	sdelay $0x1  }
0xa1: {  	s23 =	simm.s32 $0x1B8B  }
0xa2: {  	_ =	swait.ge [sflag:s23], $0x1  }
0xa3: {  	[sflag:s23] =	ssyncset.done $0x0  }
0xa4: {  	s25 =	simm.s32 $0x1B8E;
	s24 =	sld [smem:$0x3FFE];
	[sflag:s23] =	ssyncadd.s32 $0xFFFFFFFF  }
0xa5: {  	s26 =	simm.s32 $execute0_lowered;
	[smem:$0x3FD2] =	sst s25  }
0xa6: {  	s5 =	sshll.u32 s26, $0x1;
	_ =	strace $0x80000049;
	[dreg:$0x1] =	wrdreg $0xFFFFFFFF  }
0xa7: {  	s28 =	simm.s32 $_size_execute0_lowered;
	s3 =	sadd.s32 s3, s5;
	[dreg:$0x0] =	wrdreg $0x0  }
0xa8: {  	s5 =	sshll.u32 s28, $0x1;
	[dreg:$0x2] =	wrdreg s3  }
0xa9: {  	[dreg:$0x3] =	wrdreg s5  }
0xaa: {  	[dreg:$0x4] =	wrdreg $0xC0  }
0xab: {  	_ =	task [dreg:s7], $0x5FFFF  }
0xac: {  	[dreg:$0x1] =	wrdreg $0xFFFFFFFF  }
0xad: {  	[dreg:$0x0] =	wrdreg $0x60  }
0xae: {  	[dreg:$0x2] =	wrdreg s2  }
0xaf: {  	[dreg:$0x3] =	wrdreg s24  }
0xb0: {  	[dreg:$0x4] =	wrdreg $0x0  }
0xb1: {  	[dreg:$0x5] =	wrdreg $0x9  }
0xb2: {  	_ =	task.clear_ibuf [dreg:s7], $0x6FFFF;
	_ =	strace $0x90000049  }
0xb3: {  	s29 =	simm.s32 $0x9;
	_ =	strace $0x8000004B  }
0xb4: {  	_ =	swait.ge [sflag:s29], $0x1  }
0xb5: {  	[sflag:s29] =	ssyncadd.s32 $0xFFFFFFFF  }
0xb6: {  	_ =	strace $0x9000004B  }
0xb7: {  	_ =	sfence  }
0xb8: {  	s30 =	sld [smem:$0x0];
	_ =	sdelay $0x2  }
0xb9: {  	s31 =	sshll.u32 s1, $0xD;
	s1 =	sshrl.u32 s1, $0x2  }
0xba: {  	s3 =	sand.u32 $0x4000, s31;
	s1 =	sadd.s32 s1, s30  }
0xbb: {  	s0 =	sor.u32 s3, s0;
	s1 =	sshll.u32 s1, $0x11  }
0xbc: {  	s0 =	sor.u32 s1, s0  }
0xbd: {  	s0 =	sadd.s32 $0x8F2B, s0  }
0xbe: {  	[sflag:s0] =	ssyncadd.remote.s32 $0x1  }
0xbf: {  	_ =	sfence.sel $0xFFFF  }
0xc0: {  	[dreg:$0x0] =	wrdreg $0xFFFFFFFF;
	(pc) =	sbr.abs _section_cstart, $3  }
0xc1: {  	[dreg:$0x1] =	wrdreg $0xFFFFFFFF  }
0xc2: {  	_ =	task.clear_ibuf [dreg:s7], $0x2FFFF;
	_ =	strace $0x9FFFFFFF  }
0xc3: {  	(tm) =	ssettm $0x7FFFFFFF  }
tec
execute0_lowered:
.L_overlay_start_1:
0x0: {  	(tag) =	ssettag $0x1  }
0x1: {  	s1 =	rddreg [dreg:$0x0]  }
0x2: {  	s0 =	rddreg [dreg:$0x1]  }
0x3: {  	s2 =	rddreg [dreg:$0x2]  }
0x4: {  	s3 =	srdreg.scid;
	s4 =	simm.s32 $0x0;
	s10 =	stileid.u32  }
0x5: {  	s28 =	simm.s32 $0x14040;
	s29 =	simm.s32 $0x18800;
	s30 =	simm.s32 $0x1A800  }
0x6: {  	s31 =	simm.s32 $0x1C800;
	s3 =	sand.u32 $0x1, s3;
	[smem:$0x7FF] =	sst s4  }
0x7: {  	s6 =	sadd.s32 $0x2A00, s0;
	s8 =	smul.u32 $0x50000, s10;
	s12 =	sadd.s32 $0xCA00, s0  }
0x8: {  	s13 =	smul.u32 $0x14000, s10;
	s0 =	sadd.s32 $0x16A00, s0;
	s5 =	sshll.u32 s3, $0x4  }
0x9: {  	_ =	strace $0x8000004A;
	s7 =	ssub.s32 $0x2, s3;
	s3 =	smul.u32 $0x140000, s3  }
0xa: {  	s5 =	sor.u32 s10, s5;
	s9 =	sshrl.u32 s7, $0x1;
	s18 =	sshrl.u32 s8, $0x2  }
0xb: {  	s15 =	sadd.s32 $0x4000, s13;
	s16 =	sadd.s32 $0x8000, s13;
	s5 =	smul.u32 $0x2800, s5  }
0xc: {  	s14 =	ssub.s32 s7, s9;
	s7 =	sadd.s32 s18, s2;
	s8 =	sadd.s32 s15, s2  }
0xd: {  	s9 =	sadd.s32 s16, s2;
	s18 =	sadd.s32 $0x10000, s13;
	s21 =	sadd.s32 s3, s15  }
0xe: {  	s24 =	sadd.s32 s3, s16;
	s15 =	simm.s32 $0x0;
	s5 =	sshrl.u32 s5, $0x3  }
0xf: {  	s11 =	sadd.s32 s18, s2;
	s23 =	sshrl.u32 s21, $0x3;
	s17 =	sadd.s32 s6, s5  }
0x10: {  	s21 =	simm.s32 $0x15400;
	s19 =	sadd.s32 s12, s5;
	[dreg:$0x4] =	wrdreg s17  }
0x11: {  	s5 =	sadd.s32 $0x280, s5;
	[dreg:$0x5] =	wrdreg s19;
	s17 =	sadd.s32 $0xC000, s13  }
0x12: {  	s13 =	sadd.s32 s13, s3;
	s6 =	sadd.s32 s6, s5;
	s5 =	sadd.s32 s12, s5  }
0x13: {  	s19 =	smax.u32 s14, $0x1;
	s12 =	simm.s32 $0x153C0;
	s14 =	simm.s32 $0x16780  }
0x14: {  	s10 =	sadd.s32 s17, s2;
	[dreg:$0x6] =	wrdreg s6;
	s20 =	sshrl.u32 s13, $0x3  }
0x15: {  	[dreg:$0x7] =	wrdreg s5;
	s5 =	sadd.s32 s0, s23;
	s25 =	sadd.s32 s3, s17  }
0x16: {  	s3 =	sadd.s32 s3, s18;
	s23 =	simm.s32 $0x1;
	s13 =	simm.s32 $0x16700  }
0x17: {  	s22 =	sadd.s32 s0, s20;
	[dreg:$0x9] =	wrdreg s5;
	s5 =	sshrl.u32 s24, $0x3  }
0x18: {  	s6 =	sshrl.u32 s25, $0x3;
	s3 =	sshrl.u32 s3, $0x3;
	s20 =	simm.s32 $0x14000  }
0x19: {  	s24 =	simm.s32 $0x3;
	[dreg:$0x8] =	wrdreg s22;
	s5 =	sadd.s32 s0, s5  }
0x1a: {  	s25 =	simm.s32 $0x4;
	s26 =	sadd.s32 s0, s6;
	[dreg:$0xa] =	wrdreg s5  }
0x1b: {  	s0 =	sadd.s32 s0, s3;
	s22 =	simm.s32 $0x16800;
	[dreg:$0xb] =	wrdreg s26  }
0x1c: {  	s3 =	simm.s32 $0x5;
	s6 =	simm.s32 $0x15380;
	[dreg:$0xc] =	wrdreg s0  }
0x1d: {  	v0 =	vimm.f32 $0.0e+00;
	s26 =	simm.s32 $0x40;
	s0 =	simm.s32 $0x80;
	s5 =	simm.s32 $0x2  }
.LBB2_1:
0x1e: {  	s16 =	rddreg [dreg:$0x4]  }
0x1f: {  	[tilespmem:s20], [sflag:$0x3] =	stream.linear.gather [hbm4b:s16+s4], $0x1400, $0x38;
	[tilespmem:$0x1E800] =	vst v63  }
0x20: {  	s18 =	rddreg [dreg:$0x5]  }
0x21: {  	[tilespmem:s21], [sflag:$0x4] =	stream.linear.gather [hbm4b:s18+s4], $0x1400, $0x38;
	[tilespmem:$0x1E800] =	vst v63  }
0x22: {  	s21 =	sand.u32 $0xFE00, s4  }
0x23: {  	s17 =	sand.u32 $0x70, s4;
	s18 =	sshrl.u32 s21, $0x2  }
0x24: {  	s16 =	simm.s32 $0x40;
	s21 =	simm.s32 $0x0;
	s17 =	sor.u32 s17, s18  }
.LBB2_2:
0x25: {  	p0 =	sne.s32 s16, $0xFFC0  }
0x26: {  	[tilespmem:s17+$0x16800] =	vst v0;
	s21 =	sadd.s32 $0x10, s21;
	s17 =	smov.u32 s16;
	s16 =	sadd.s32 $0x40, s16  }
.Ltmp0:
0x27: {  	(pc) =	sbr.rel @p0 .LBB2_2-.Ltmp0, $4  }
0x28: {  	_ = 	snop  }
0x29: {  	s17 =	sand.u32 $0xFE00, s17  }
0x2a: {  	s18 =	sand.u32 $0x70, s21;
	s17 =	sshrl.u32 s17, $0x2  }
0x2b: {  	s17 =	sor.u32 s18, s17  }
0x2c: {  	[tilespmem:s17+$0x16800] =	vst v0  }
0x2d: {  	[spmem:s7] =	stream.linear.scatter [tilespmem:s22], [sflag:$0x1], $0x4000, $0x38;
	[tilespmem:$0x1E800] =	vst v63  }
0x2e: {  	_ = 	snop  }
0x2f: {  	[spmem:s8] =	stream.linear.scatter [tilespmem:s22], [sflag:$0x1], $0x4000, $0x38;
	[tilespmem:$0x1E800] =	vst v63  }
0x30: {  	_ = 	snop  }
0x31: {  	[spmem:s9] =	stream.linear.scatter [tilespmem:s22], [sflag:$0x1], $0x4000, $0x38;
	[tilespmem:$0x1E800] =	vst v63  }
0x32: {  	_ = 	snop  }
0x33: {  	[spmem:s10] =	stream.linear.scatter [tilespmem:s22], [sflag:$0x1], $0x4000, $0x38;
	[tilespmem:$0x1E800] =	vst v63  }
0x34: {  	_ = 	snop  }
0x35: {  	[spmem:s11] =	stream.linear.scatter [tilespmem:s22], [sflag:$0x1], $0x4000, $0x38;
	[tilespmem:$0x1E800] =	vst v63  }
0x36: {  	_ =	swait.ge [sflag:s23], $0x4000  }
0x37: {  	[sflag:s23] =	ssyncset.done $0x0  }
0x38: {  	[sflag:s23] =	ssyncadd.s32 $0xFFFFC000  }
0x39: {  	_ =	swait.ge [sflag:s23], $0x4000  }
0x3a: {  	[sflag:s23] =	ssyncset.done $0x0  }
0x3b: {  	[sflag:s23] =	ssyncadd.s32 $0xFFFFC000  }
0x3c: {  	_ =	swait.ge [sflag:s23], $0x4000  }
0x3d: {  	[sflag:s23] =	ssyncset.done $0x0  }
0x3e: {  	[sflag:s23] =	ssyncadd.s32 $0xFFFFC000  }
0x3f: {  	_ =	swait.ge [sflag:s23], $0x4000  }
0x40: {  	[sflag:s23] =	ssyncset.done $0x0  }
0x41: {  	[sflag:s23] =	ssyncadd.s32 $0xFFFFC000  }
0x42: {  	_ =	swait.ge [sflag:s23], $0x4000  }
0x43: {  	[sflag:s23] =	ssyncset.done $0x0  }
0x44: {  	[sflag:s23] =	ssyncadd.s32 $0xFFFFC000  }
0x45: {  	[bflag:$0x0] =	sbarrier.arrive $0xFFFF  }
0x46: {  	_ =	swait.ge [sflag:s24], $0x1400  }
0x47: {  	[sflag:s24] =	ssyncset.done $0x0  }
0x48: {  	[sflag:s24] =	ssyncadd.s32 $0xFFFFEC00  }
0x49: {  	_ =	swait.ge [sflag:s25], $0x1400  }
0x4a: {  	[sflag:s25] =	ssyncset.done $0x0  }
0x4b: {  	[sflag:s25] =	ssyncadd.s32 $0xFFFFEC00  }
0x4c: {  	[tilespmem:s22], [sflag:$0x1] =	stream.indirect.gather [hbm4b:s1+s26], $0x80, s20, s26, $0xb8;
	[tilespmem:$0x1E800] =	vst v63  }
0x4d: {  	_ = 	snop  }
0x4e: {  	[tilespmem:s29], [sflag:$0x1] =	stream.indirect.gather [hbm4b:s1+s26], $0x80, s28, s26, $0xb8;
	[tilespmem:$0x1E800] =	vst v63  }
0x4f: {  	_ =	swait.ge [sflag:s23], $0x4000  }
0x50: {  	[sflag:s23] =	ssyncset.done $0x0  }
0x51: {  	s16 =	simm.s32 $0x14080;
	[sflag:s23] =	ssyncadd.s32 $0xFFFFC000  }
0x52: {  	[tilespmem:s30], [sflag:$0x2] =	stream.indirect.gather [hbm4b:s1+s26], $0x80, s16, s26, $0xb8;
	[tilespmem:$0x1E800] =	vst v63  }
0x53: {  	s18 =	simm.s32 $0x140C0  }
0x54: {  	[tilespmem:s31], [sflag:$0x2] =	stream.indirect.gather [hbm4b:s1+s26], $0x80, s18, s26, $0xb8;
	[tilespmem:$0x1E800] =	vst v63  }
0x55: {  	s21 =	simm.s32 $0x15400  }
0x56: {  	[spmem:s2] =	stream.indirect.scatter.add.f32 [tilespmem:s22], [sflag:$0x5], $0x80, s21, s0, $0xb8;
	[tilespmem:$0x1E800] =	vst v63  }
0x57: {  	_ =	swait.ge [sflag:s3], $0x4000  }
0x58: {  	[sflag:s3] =	ssyncset.done $0x0  }
0x59: {  	s17 =	simm.s32 $0x14100;
	[sflag:s3] =	ssyncadd.s32 $0xFFFFC000  }
0x5a: {  	[tilespmem:s22], [sflag:$0x1] =	stream.indirect.gather [hbm4b:s1+s26], $0x80, s17, s26, $0xb8;
	[tilespmem:$0x1E800] =	vst v63  }
0x5b: {  	s18 =	simm.s32 $0x14140  }
0x5c: {  	[tilespmem:s29], [sflag:$0x1] =	stream.indirect.gather [hbm4b:s1+s26], $0x80, s18, s26, $0xb8;
	[tilespmem:$0x1E800] =	vst v63  }
0x5d: {  	_ =	swait.ge [sflag:s5], $0x4000  }
0x5e: {  	[sflag:s5] =	ssyncset.done $0x0  }
0x5f: {  	s21 =	simm.s32 $0x15480;
	[sflag:s5] =	ssyncadd.s32 $0xFFFFC000  }
0x60: {  	[spmem:s2] =	stream.indirect.scatter.add.f32 [tilespmem:s30], [sflag:$0x5], $0x80, s21, s0, $0xb8;
	[tilespmem:$0x1E800] =	vst v63  }
0x61: {  	_ =	swait.ge [sflag:s3], $0x4000  }
0x62: {  	s16 =	simm.s32 $0x400;
	[sflag:s3] =	ssyncset.done $0x0  }
.LBB2_4:
0x63: {  	p0 =	sne.s32 s16, $0x4800  }
0x64: {  	[sflag:s3] =	ssyncadd.s32 $0xFFFFC000;
	s17 =	smov.u32 s16;
	s16 =	sadd.s32 $0x400, s16  }
0x65: {  	_ =	swait.ge [sflag:s23], $0x4000  }
0x66: {  	s17 =	sshra.s32 s17, $0x2;
	[sflag:s23] =	ssyncset.done $0x0  }
0x67: {  	s18 =	sadd.s32 $0x14080, s17;
	[sflag:s23] =	ssyncadd.s32 $0xFFFFC000  }
0x68: {  	[tilespmem:s30], [sflag:$0x2] =	stream.indirect.gather [hbm4b:s1+s26], $0x80, s18, s26, $0xb8;
	[tilespmem:$0x1E800] =	vst v63  }
0x69: {  	s18 =	sadd.s32 $0x140C0, s17  }
0x6a: {  	[tilespmem:s31], [sflag:$0x2] =	stream.indirect.gather [hbm4b:s1+s26], $0x80, s18, s26, $0xb8;
	[tilespmem:$0x1E800] =	vst v63  }
0x6b: {  	s18 =	sadd.s32 $0x15400, s17  }
0x6c: {  	[spmem:s2] =	stream.indirect.scatter.add.f32 [tilespmem:s22], [sflag:$0x5], $0x80, s18, s0, $0xb8;
	[tilespmem:$0x1E800] =	vst v63  }
0x6d: {  	_ =	swait.ge [sflag:s3], $0x4000  }
0x6e: {  	[sflag:s3] =	ssyncset.done $0x0  }
0x6f: {  	s18 =	sadd.s32 $0x14100, s17;
	[sflag:s3] =	ssyncadd.s32 $0xFFFFC000  }
0x70: {  	[tilespmem:s22], [sflag:$0x1] =	stream.indirect.gather [hbm4b:s1+s26], $0x80, s18, s26, $0xb8;
	[tilespmem:$0x1E800] =	vst v63  }
0x71: {  	s18 =	sadd.s32 $0x14140, s17  }
0x72: {  	[tilespmem:s29], [sflag:$0x1] =	stream.indirect.gather [hbm4b:s1+s26], $0x80, s18, s26, $0xb8;
	[tilespmem:$0x1E800] =	vst v63  }
0x73: {  	_ =	swait.ge [sflag:s5], $0x4000  }
.Ltmp1:
0x74: {  	[sflag:s5] =	ssyncset.done $0x0;
	(pc) =	sbr.rel @p0 .LBB2_4-.Ltmp1, $4  }
0x75: {  	s17 =	sadd.s32 $0x15480, s17;
	[sflag:s5] =	ssyncadd.s32 $0xFFFFC000  }
0x76: {  	[spmem:s2] =	stream.indirect.scatter.add.f32 [tilespmem:s30], [sflag:$0x5], $0x80, s17, s0, $0xb8;
	[tilespmem:$0x1E800] =	vst v63  }
0x77: {  	_ =	swait.ge [sflag:s3], $0x4000  }
0x78: {  	[sflag:s3] =	ssyncset.done $0x0  }
0x79: {  	[sflag:s3] =	ssyncadd.s32 $0xFFFFC000  }
0x7a: {  	_ =	swait.ge [sflag:s23], $0x4000  }
0x7b: {  	[sflag:s23] =	ssyncset.done $0x0  }
0x7c: {  	[sflag:s23] =	ssyncadd.s32 $0xFFFFC000  }
0x7d: {  	[tilespmem:s30], [sflag:$0x2] =	stream.indirect.gather [hbm4b:s1+s26], $0x80, s6, s26, $0xb8;
	[tilespmem:$0x1E800] =	vst v63  }
0x7e: {  	_ = 	snop  }
0x7f: {  	[tilespmem:s31], [sflag:$0x2] =	stream.indirect.gather [hbm4b:s1+s26], $0x80, s12, s26, $0xb8;
	[tilespmem:$0x1E800] =	vst v63  }
0x80: {  	_ = 	snop  }
0x81: {  	[spmem:s2] =	stream.indirect.scatter.add.f32 [tilespmem:s22], [sflag:$0x5], $0x80, s13, s0, $0xb8;
	[tilespmem:$0x1E800] =	vst v63  }
0x82: {  	_ =	swait.ge [sflag:s3], $0x4000  }
0x83: {  	[sflag:s3] =	ssyncset.done $0x0  }
0x84: {  	[sflag:s3] =	ssyncadd.s32 $0xFFFFC000  }
0x85: {  	_ =	swait.ge [sflag:s5], $0x4000  }
0x86: {  	[sflag:s5] =	ssyncset.done $0x0  }
0x87: {  	[sflag:s5] =	ssyncadd.s32 $0xFFFFC000  }
0x88: {  	[spmem:s2] =	stream.indirect.scatter.add.f32 [tilespmem:s30], [sflag:$0x5], $0x80, s14, s0, $0xb8;
	[tilespmem:$0x1E800] =	vst v63  }
0x89: {  	_ =	swait.ge [sflag:s3], $0x4000  }
0x8a: {  	[sflag:s3] =	ssyncset.done $0x0  }
0x8b: {  	s16 =	simm.s32 $0x0;
	s17 =	rddreg [dreg:$0x6];
	[sflag:s3] =	ssyncadd.s32 $0xFFFFC000  }
0x8c: {  	[tilespmem:s20], [sflag:$0x5] =	stream.linear.gather [hbm4b:s17+s16], $0x1400, $0x38;
	[tilespmem:$0x1E800] =	vst v63  }
0x8d: {  	_ =	swait.ge [sflag:s3], $0x1400  }
0x8e: {  	[sflag:s3] =	ssyncset.done $0x0  }
0x8f: {  	s21 =	simm.s32 $0x15400;
	s18 =	rddreg [dreg:$0x7];
	[sflag:s3] =	ssyncadd.s32 $0xFFFFEC00  }
0x90: {  	[tilespmem:s21], [sflag:$0x5] =	stream.linear.gather [hbm4b:s18+s16], $0x1400, $0x38;
	[tilespmem:$0x1E800] =	vst v63  }
0x91: {  	_ =	swait.ge [sflag:s3], $0x1400  }
0x92: {  	[sflag:s3] =	ssyncset.done $0x0  }
0x93: {  	[sflag:s3] =	ssyncadd.s32 $0xFFFFEC00  }
0x94: {  	[tilespmem:s22], [sflag:$0x1] =	stream.indirect.gather [hbm4b:s1+s26], $0x80, s20, s26, $0xb8;
	[tilespmem:$0x1E800] =	vst v63  }
0x95: {  	_ = 	snop  }
0x96: {  	[tilespmem:s29], [sflag:$0x1] =	stream.indirect.gather [hbm4b:s1+s26], $0x80, s28, s26, $0xb8;
	[tilespmem:$0x1E800] =	vst v63  }
0x97: {  	_ =	swait.ge [sflag:s23], $0x4000  }
0x98: {  	[sflag:s23] =	ssyncset.done $0x0  }
0x99: {  	s17 =	simm.s32 $0x14080;
	[sflag:s23] =	ssyncadd.s32 $0xFFFFC000  }
0x9a: {  	[tilespmem:s30], [sflag:$0x2] =	stream.indirect.gather [hbm4b:s1+s26], $0x80, s17, s26, $0xb8;
	[tilespmem:$0x1E800] =	vst v63  }
0x9b: {  	s18 =	simm.s32 $0x140C0  }
0x9c: {  	[tilespmem:s31], [sflag:$0x2] =	stream.indirect.gather [hbm4b:s1+s26], $0x80, s18, s26, $0xb8;
	[tilespmem:$0x1E800] =	vst v63  }
0x9d: {  	s17 =	simm.s32 $0x15400  }
0x9e: {  	[spmem:s2] =	stream.indirect.scatter.add.f32 [tilespmem:s22], [sflag:$0x5], $0x80, s17, s0, $0xb8;
	[tilespmem:$0x1E800] =	vst v63  }
0x9f: {  	_ =	swait.ge [sflag:s3], $0x4000  }
0xa0: {  	[sflag:s3] =	ssyncset.done $0x0  }
0xa1: {  	s18 =	simm.s32 $0x14100;
	[sflag:s3] =	ssyncadd.s32 $0xFFFFC000  }
0xa2: {  	[tilespmem:s22], [sflag:$0x1] =	stream.indirect.gather [hbm4b:s1+s26], $0x80, s18, s26, $0xb8;
	[tilespmem:$0x1E800] =	vst v63  }
0xa3: {  	s17 =	simm.s32 $0x14140  }
0xa4: {  	[tilespmem:s29], [sflag:$0x1] =	stream.indirect.gather [hbm4b:s1+s26], $0x80, s17, s26, $0xb8;
	[tilespmem:$0x1E800] =	vst v63  }
0xa5: {  	_ =	swait.ge [sflag:s5], $0x4000  }
0xa6: {  	[sflag:s5] =	ssyncset.done $0x0  }
0xa7: {  	s18 =	simm.s32 $0x15480;
	[sflag:s5] =	ssyncadd.s32 $0xFFFFC000  }
0xa8: {  	[spmem:s2] =	stream.indirect.scatter.add.f32 [tilespmem:s30], [sflag:$0x5], $0x80, s18, s0, $0xb8;
	[tilespmem:$0x1E800] =	vst v63  }
0xa9: {  	_ =	swait.ge [sflag:s3], $0x4000  }
0xaa: {  	s16 =	simm.s32 $0x400;
	[sflag:s3] =	ssyncset.done $0x0  }
.LBB2_6:
0xab: {  	p0 =	sne.s32 s16, $0x4800  }
0xac: {  	[sflag:s3] =	ssyncadd.s32 $0xFFFFC000;
	s17 =	smov.u32 s16;
	s16 =	sadd.s32 $0x400, s16  }
0xad: {  	_ =	swait.ge [sflag:s23], $0x4000  }
0xae: {  	s17 =	sshra.s32 s17, $0x2;
	[sflag:s23] =	ssyncset.done $0x0  }
0xaf: {  	s18 =	sadd.s32 $0x14080, s17;
	[sflag:s23] =	ssyncadd.s32 $0xFFFFC000  }
0xb0: {  	[tilespmem:s30], [sflag:$0x2] =	stream.indirect.gather [hbm4b:s1+s26], $0x80, s18, s26, $0xb8;
	[tilespmem:$0x1E800] =	vst v63  }
0xb1: {  	s18 =	sadd.s32 $0x140C0, s17  }
0xb2: {  	[tilespmem:s31], [sflag:$0x2] =	stream.indirect.gather [hbm4b:s1+s26], $0x80, s18, s26, $0xb8;
	[tilespmem:$0x1E800] =	vst v63  }
0xb3: {  	s18 =	sadd.s32 $0x15400, s17  }
0xb4: {  	[spmem:s2] =	stream.indirect.scatter.add.f32 [tilespmem:s22], [sflag:$0x5], $0x80, s18, s0, $0xb8;
	[tilespmem:$0x1E800] =	vst v63  }
0xb5: {  	_ =	swait.ge [sflag:s3], $0x4000  }
0xb6: {  	[sflag:s3] =	ssyncset.done $0x0  }
0xb7: {  	s18 =	sadd.s32 $0x14100, s17;
	[sflag:s3] =	ssyncadd.s32 $0xFFFFC000  }
0xb8: {  	[tilespmem:s22], [sflag:$0x1] =	stream.indirect.gather [hbm4b:s1+s26], $0x80, s18, s26, $0xb8;
	[tilespmem:$0x1E800] =	vst v63  }
0xb9: {  	s18 =	sadd.s32 $0x14140, s17  }
0xba: {  	[tilespmem:s29], [sflag:$0x1] =	stream.indirect.gather [hbm4b:s1+s26], $0x80, s18, s26, $0xb8;
	[tilespmem:$0x1E800] =	vst v63  }
0xbb: {  	_ =	swait.ge [sflag:s5], $0x4000  }
.Ltmp2:
0xbc: {  	[sflag:s5] =	ssyncset.done $0x0;
	(pc) =	sbr.rel @p0 .LBB2_6-.Ltmp2, $4  }
0xbd: {  	s17 =	sadd.s32 $0x15480, s17;
	[sflag:s5] =	ssyncadd.s32 $0xFFFFC000  }
0xbe: {  	[spmem:s2] =	stream.indirect.scatter.add.f32 [tilespmem:s30], [sflag:$0x5], $0x80, s17, s0, $0xb8;
	[tilespmem:$0x1E800] =	vst v63  }
0xbf: {  	_ =	swait.ge [sflag:s3], $0x4000  }
0xc0: {  	[sflag:s3] =	ssyncset.done $0x0  }
0xc1: {  	[sflag:s3] =	ssyncadd.s32 $0xFFFFC000  }
0xc2: {  	_ =	swait.ge [sflag:s23], $0x4000  }
0xc3: {  	[sflag:s23] =	ssyncset.done $0x0  }
0xc4: {  	[sflag:s23] =	ssyncadd.s32 $0xFFFFC000  }
0xc5: {  	[tilespmem:s30], [sflag:$0x2] =	stream.indirect.gather [hbm4b:s1+s26], $0x80, s6, s26, $0xb8;
	[tilespmem:$0x1E800] =	vst v63  }
0xc6: {  	_ = 	snop  }
0xc7: {  	[tilespmem:s31], [sflag:$0x2] =	stream.indirect.gather [hbm4b:s1+s26], $0x80, s12, s26, $0xb8;
	[tilespmem:$0x1E800] =	vst v63  }
0xc8: {  	_ = 	snop  }
0xc9: {  	[spmem:s2] =	stream.indirect.scatter.add.f32 [tilespmem:s22], [sflag:$0x5], $0x80, s13, s0, $0xb8;
	[tilespmem:$0x1E800] =	vst v63  }
0xca: {  	_ =	swait.ge [sflag:s3], $0x4000  }
0xcb: {  	[sflag:s3] =	ssyncset.done $0x0  }
0xcc: {  	[sflag:s3] =	ssyncadd.s32 $0xFFFFC000  }
0xcd: {  	_ =	swait.ge [sflag:s5], $0x4000  }
0xce: {  	[sflag:s5] =	ssyncset.done $0x0  }
0xcf: {  	[sflag:s5] =	ssyncadd.s32 $0xFFFFC000  }
0xd0: {  	[spmem:s2] =	stream.indirect.scatter.add.f32 [tilespmem:s30], [sflag:$0x5], $0x80, s14, s0, $0xb8;
	[tilespmem:$0x1E800] =	vst v63  }
0xd1: {  	_ =	swait.ge [sflag:s3], $0x4000  }
0xd2: {  	[sflag:s3] =	ssyncset.done $0x0  }
0xd3: {  	[sflag:s3] =	ssyncadd.s32 $0xFFFFC000  }
0xd4: {  	[bflag:$0x0] =	sbarrier.arrive $0xFFFF  }
0xd5: {  	[tilespmem:s22], [sflag:$0x1] =	stream.linear.gather [spmem:s7], $0x4000, $0x38;
	[tilespmem:$0x1E800] =	vst v63  }
0xd6: {  	_ =	swait.ge [sflag:s23], $0x4000  }
0xd7: {  	[sflag:s23] =	ssyncset.done $0x0  }
0xd8: {  	[sflag:s23] =	ssyncadd.s32 $0xFFFFC000  }
0xd9: {  	[tilespmem:s30], [sflag:$0x2] =	stream.linear.gather [spmem:s8], $0x4000, $0x38;
	[tilespmem:$0x1E800] =	vst v63  }
0xda: {  	s16 =	rddreg [dreg:$0x8]  }
0xdb: {  	[hbm4b:s16+s4] =	stream.linear.scatter [tilespmem:s22], [sflag:$0x3], $0x4000, $0x38;
	[tilespmem:$0x1E800] =	vst v63  }
0xdc: {  	_ =	swait.ge [sflag:s5], $0x4000  }
0xdd: {  	[sflag:s5] =	ssyncset.done $0x0  }
0xde: {  	[sflag:s5] =	ssyncadd.s32 $0xFFFFC000  }
0xdf: {  	_ =	swait.ge [sflag:s24], $0x4000  }
0xe0: {  	[sflag:s24] =	ssyncset.done $0x0  }
0xe1: {  	[sflag:s24] =	ssyncadd.s32 $0xFFFFC000  }
0xe2: {  	[tilespmem:s22], [sflag:$0x1] =	stream.linear.gather [spmem:s9], $0x4000, $0x38;
	[tilespmem:$0x1E800] =	vst v63  }
0xe3: {  	s17 =	rddreg [dreg:$0x9]  }
0xe4: {  	[hbm4b:s17+s4] =	stream.linear.scatter [tilespmem:s30], [sflag:$0x4], $0x4000, $0x38;
	[tilespmem:$0x1E800] =	vst v63  }
0xe5: {  	_ =	swait.ge [sflag:s23], $0x4000  }
0xe6: {  	[sflag:s23] =	ssyncset.done $0x0  }
0xe7: {  	[sflag:s23] =	ssyncadd.s32 $0xFFFFC000  }
0xe8: {  	_ =	swait.ge [sflag:s25], $0x4000  }
0xe9: {  	[sflag:s25] =	ssyncset.done $0x0  }
0xea: {  	[sflag:s25] =	ssyncadd.s32 $0xFFFFC000  }
0xeb: {  	[tilespmem:s30], [sflag:$0x2] =	stream.linear.gather [spmem:s10], $0x4000, $0x38;
	[tilespmem:$0x1E800] =	vst v63  }
0xec: {  	s18 =	rddreg [dreg:$0xa]  }
0xed: {  	[hbm4b:s18+s4] =	stream.linear.scatter [tilespmem:s22], [sflag:$0x3], $0x4000, $0x38;
	[tilespmem:$0x1E800] =	vst v63  }
0xee: {  	_ =	swait.ge [sflag:s5], $0x4000  }
0xef: {  	[sflag:s5] =	ssyncset.done $0x0  }
0xf0: {  	[sflag:s5] =	ssyncadd.s32 $0xFFFFC000  }
0xf1: {  	_ =	swait.ge [sflag:s24], $0x4000  }
0xf2: {  	[sflag:s24] =	ssyncset.done $0x0  }
0xf3: {  	[sflag:s24] =	ssyncadd.s32 $0xFFFFC000  }
0xf4: {  	[tilespmem:s22], [sflag:$0x1] =	stream.linear.gather [spmem:s11], $0x4000, $0x38;
	[tilespmem:$0x1E800] =	vst v63  }
0xf5: {  	s17 =	rddreg [dreg:$0xb]  }
0xf6: {  	[hbm4b:s17+s4] =	stream.linear.scatter [tilespmem:s30], [sflag:$0x4], $0x4000, $0x38;
	[tilespmem:$0x1E800] =	vst v63  }
0xf7: {  	_ =	swait.ge [sflag:s23], $0x4000  }
0xf8: {  	[sflag:s23] =	ssyncset.done $0x0  }
0xf9: {  	s15 =	sadd.s32 $0x1, s15;
	s18 =	rddreg [dreg:$0xc];
	[sflag:s23] =	ssyncadd.s32 $0xFFFFC000  }
0xfa: {  	[hbm4b:s18+s4] =	stream.linear.scatter [tilespmem:s22], [sflag:$0x3], $0x4000, $0x38;
	[tilespmem:$0x1E800] =	vst v63  }
0xfb: {  	p0 =	sne.s32 s15, s19;
	_ =	swait.ge [sflag:s25], $0x4000  }
.Ltmp3:
0xfc: {  	[sflag:s25] =	ssyncset.done $0x0;
	(pc) =	sbr.rel @p0 .LBB2_1-.Ltmp3, $4  }
0xfd: {  	[sflag:s25] =	ssyncadd.s32 $0xFFFFC000  }
0xfe: {  	_ =	swait.ge [sflag:s24], $0x4000  }
0xff: {  	[sflag:s24] =	ssyncset.done $0x0  }
0x100: {  	[sflag:s24] =	ssyncadd.s32 $0xFFFFC000  }
0x101: {  	_ =	sfence.sel $0x180000  }
0x102: {  	[bflag:$0x0] =	sbarrier.arrive $0xFFFF  }
0x103: {  	_ =	strace $0x9000004A  }
0x104: {  	s0 =	stileid.u32;
	[bflag:$0x2] =	sbarrier.arrive $0xFFFF  }
0x105: {  	p0 =	sne.s32 s0, $0x0;
	s0 =	rddreg [dreg:$0x3]  }
0x106: {  	s0 =	sadd.s32 @!p0 $0x100000, s0  }
0x107: {  	[sflag:s0] =	ssyncadd.tile.s32 @!p0 $0x1;
	_ =	shalt  }
.Lfunc_end2:
_tile_overlayer_lowered:
.L_overlay_start_2:
0x108: {  	(tag) =	ssettag $0x2  }
0x109: {  	s0 =	rddreg [dreg:$0x0];
	s2 =	stileid.u32  }
0x10a: {  	s1 =	rddreg [dreg:$0x1];
	p0 =	sne.s32 s2, $0x0  }
0x10b: {  	s3 =	rddreg [dreg:$0x2];
	[bflag:$0x3] =	sbarrier.arrive $0xFFFF;
	s2 =	simm.s32 @!p0 $0x1C05  }
0x10c: {  	[timem:s3], [sflag:s2] =	dma.local @!p0 [hbm:s0], s1  }
0x10d: {  	s0 =	simm.s32 @!p0 $0x5  }
0x10e: {  	_ =	swait.ge @!p0 [sflag:s0], s1  }
0x10f: {  	s1 =	ssub.s32 @!p0 $0x0, s1;
	[sflag:s0] =	ssyncset.done @!p0 $0x0  }
0x110: {  	[sflag:s0] =	ssyncadd.s32 @!p0 s1  }
0x111: {  	[bflag:$0x3] =	sbarrier.arrive $0xFFFF  }
0x112: {  	_ =	shalt  }

</sc_bundles>
